<compile_context>
chip_gen: v7x
topology: tpu7x:2x2x1
jax: 0.10.2.dev20260603
libtpu: 0.0.44.dev20260713+nightly
codegen_flags: <defaults>
</compile_context>

<pallas_src>
import functools

import jax
import jax.numpy as jnp
from jax import lax
from jax.experimental import pallas as pl
from jax.experimental.pallas import tpu as pltpu
from jax.experimental.pallas import tpu_sc as plsc

N = 10000
D = 128
NC = 2
NS = 16
NW = NC * NS

N_PAD = 10240
ROWS_PER_TILE = N_PAD // NS
CHUNK = 128
NB = 2
PACK = 14

_sc_mesh = plsc.VectorSubcoreMesh(core_axis_name="c", subcore_axis_name="s")


def _make_deg_kernel(chunks_per_tile):
    @functools.partial(
        pl.kernel,
        out_type=jax.ShapeDtypeStruct((NC, N_PAD), jnp.float32),
        mesh=_sc_mesh,
        scratch_types=[
            pltpu.VMEM((chunks_per_tile, CHUNK), jnp.int32),
            pltpu.VMEM((CHUNK,), jnp.float32),
            pltpu.VMEM_SHARED((N_PAD,), jnp.float32),
        ],
    )
    def deg_kernel(col_hbm, zeros_hbm, out_hbm, colv, onesv, deg):
        cid = lax.axis_index("c")
        sid = lax.axis_index("s")
        wid = sid * NC + cid
        for i in range(CHUNK // 16):
            onesv[pl.ds(i * 16, 16)] = jnp.full((16,), 1.0, jnp.float32)
        pltpu.sync_copy(zeros_hbm, deg.at[pl.ds(sid * ROWS_PER_TILE, ROWS_PER_TILE)])
        pltpu.sync_copy(col_hbm.at[wid], colv)
        plsc.subcore_barrier()

        def body(j, carry):
            pltpu.sync_copy(onesv, deg.at[colv.at[j]], add=True)
            return carry

        lax.fori_loop(0, chunks_per_tile, body, 0)
        plsc.subcore_barrier()
        pltpu.sync_copy(
            deg.at[pl.ds(sid * ROWS_PER_TILE, ROWS_PER_TILE)],
            out_hbm.at[cid, pl.ds(sid * ROWS_PER_TILE, ROWS_PER_TILE)],
        )

    return deg_kernel


def _make_spmm_kernel(chunks_per_tile):
    assert chunks_per_tile % NB == 0
    ngroups = chunks_per_tile // NB

    @functools.partial(
        pl.kernel,
        out_type=jax.ShapeDtypeStruct((NC, N_PAD, D), jnp.float32),
        mesh=_sc_mesh,
        scratch_types=[
            pltpu.VMEM((chunks_per_tile, CHUNK), jnp.int32),
            [pltpu.VMEM((1, CHUNK), jnp.int32) for _ in range(NB)],
            [pltpu.VMEM((1, CHUNK), jnp.int32) for _ in range(NB)],
            [pltpu.VMEM((CHUNK, D), jnp.float32) for _ in range(NB)],
            [pltpu.SemaphoreType.DMA for _ in range(NB)],
            pltpu.VMEM_SHARED((N_PAD, D), jnp.float32),
        ],
    )
    def spmm_kernel(g_hbm, packed_hbm, zeros_hbm, out_hbm,
                    packv, rowbs, colbs, bufs, sems, acc):
        cid = lax.axis_index("c")
        sid = lax.axis_index("s")
        wid = sid * NC + cid
        pltpu.sync_copy(zeros_hbm, acc.at[pl.ds(sid * ROWS_PER_TILE, ROWS_PER_TILE)])
        pltpu.sync_copy(packed_hbm.at[wid], packv)
        plsc.subcore_barrier()

        def decode(j, b):
            for i in range(CHUNK // 16):
                v = packv[j, pl.ds(i * 16, 16)]
                rowbs[b][0, pl.ds(i * 16, 16)] = lax.shift_right_logical(v, PACK)
                colbs[b][0, pl.ds(i * 16, 16)] = lax.bitwise_and(
                    v, jnp.int32((1 << PACK) - 1))

        def gather(b):
            pltpu.async_copy(g_hbm.at[colbs[b].at[0]], bufs[b], sems[b])

        def wait_gather(b):
            pltpu.make_async_copy(g_hbm.at[colbs[b].at[0]], bufs[b],
                                  sems[b]).wait()

        for b in range(NB):
            decode(b, b)
            gather(b)

        def body(jj, carry):
            j0 = jj * NB
            for b in range(NB):
                wait_gather(b)
                pltpu.sync_copy(bufs[b], acc.at[rowbs[b].at[0]], add=True)
                decode(j0 + b + NB, b)
                gather(b)
            return carry

        lax.fori_loop(0, ngroups - 1, body, 0)
        for b in range(NB):
            wait_gather(b)
            pltpu.sync_copy(bufs[b], acc.at[rowbs[b].at[0]], add=True)
        plsc.subcore_barrier()
        pltpu.sync_copy(
            acc.at[pl.ds(sid * ROWS_PER_TILE, ROWS_PER_TILE)],
            out_hbm.at[cid, pl.ds(sid * ROWS_PER_TILE, ROWS_PER_TILE)],
        )

    return spmm_kernel


_BLK = 1024


def _lin_body(x_ref, w_ref, deg_ref, g_ref, dinv_ref):
    dsum = deg_ref[0] + deg_ref[1] + 1.0
    dinv = lax.rsqrt(dsum)
    h = lax.dot_general(
        x_ref[...], w_ref[...],
        dimension_numbers=(((1,), (1,)), ((), ())),
        preferred_element_type=jnp.float32,
    )
    g_ref[...] = h * dinv
    dinv_ref[...] = dinv


def _lin_scale(x_pad, w, deg2):
    grid = N_PAD // _BLK
    return pl.pallas_call(
        _lin_body,
        grid=(grid,),
        in_specs=[
            pl.BlockSpec((_BLK, D), lambda i: (i, 0)),
            pl.BlockSpec((D, D), lambda i: (0, 0)),
            pl.BlockSpec((NC, _BLK, 1), lambda i: (0, i, 0)),
        ],
        out_specs=[
            pl.BlockSpec((_BLK, D), lambda i: (i, 0)),
            pl.BlockSpec((_BLK, 1), lambda i: (i, 0)),
        ],
        out_shape=[
            jax.ShapeDtypeStruct((N_PAD, D), jnp.float32),
            jax.ShapeDtypeStruct((N_PAD, 1), jnp.float32),
        ],
    )(x_pad, w, deg2)


def _combine_body(acc_ref, g_ref, dinv_ref, out_ref):
    out_ref[...] = dinv_ref[...] * (acc_ref[0] + acc_ref[1] + g_ref[...])


def _combine(acc, g, dinv):
    blk = 1000
    grid = N // blk
    return pl.pallas_call(
        _combine_body,
        grid=(grid,),
        in_specs=[
            pl.BlockSpec((NC, blk, D), lambda i: (0, i, 0)),
            pl.BlockSpec((blk, D), lambda i: (i, 0)),
            pl.BlockSpec((blk, 1), lambda i: (i, 0)),
        ],
        out_specs=pl.BlockSpec((blk, D), lambda i: (i, 0)),
        out_shape=jax.ShapeDtypeStruct((N, D), jnp.float32),
    )(acc, g, dinv)


def kernel(x, edge_index, W):
    n, d = x.shape
    e = edge_index.shape[1]
    chunks_per_tile = -(-e // (NW * CHUNK))
    chunks_per_tile = -(-chunks_per_tile // NB) * NB
    e_pad = chunks_per_tile * NW * CHUNK

    pad = e_pad - e
    spread = jnp.arange(pad, dtype=jnp.int32) % (N_PAD - n) + n
    row = jnp.concatenate([edge_index[0], spread])
    col = jnp.concatenate([edge_index[1], spread])
    packed3 = ((row << PACK) | col).reshape(NW, chunks_per_tile, CHUNK)
    col3 = col.reshape(NW, chunks_per_tile, CHUNK)

    x_pad = jnp.zeros((N_PAD, d), x.dtype).at[:n].set(x)
    zeros1 = jnp.zeros((ROWS_PER_TILE,), jnp.float32)
    zeros2 = jnp.zeros((ROWS_PER_TILE, d), jnp.float32)

    deg2 = _make_deg_kernel(chunks_per_tile)(col3, zeros1)
    g, dinv = _lin_scale(x_pad, W, deg2.reshape(NC, N_PAD, 1))
    acc = _make_spmm_kernel(chunks_per_tile)(g, packed3, zeros2)
    return _combine(acc, g, dinv)

# --- scband reference (transcript-rebuilt; emitter-appended) ---
"""Pipeline reference for scband-satconv-51505247814287 (READ-ONLY COPY).

The authoritative reference and input builder live on the scoring server;
editing this copy changes nothing except your own understanding.
"""

import jax, jax.numpy as jnp
import numpy as np

N = 10000
E = 320000
D = 128

def setup_inputs(seed: int = 0):
    key = jax.random.key(seed)
    k1, k2, k3 = jax.random.split(key, 3)
    x = jax.random.normal(k1, (N, D), dtype=jnp.float32)
    edge_index = jax.random.randint(k2, (2, E), 0, N, dtype=jnp.int32)
    # Linear weight [out_channels, in_channels], glorot init
    std = float(np.sqrt(2.0 / (D + D)))
    W = jax.random.normal(k3, (D, D), dtype=jnp.float32) * std
    return {"x": x, "edge_index": edge_index, "W": W}

def reference(x, edge_index, W):
    n = x.shape[0]
    # lin (no bias)
    h = x @ W.T
    # add self loops (edge_weight None -> ones)
    loops = jnp.arange(n, dtype=edge_index.dtype)
    ei = jnp.concatenate([edge_index, jnp.stack([loops, loops])], axis=1)
    ew = jnp.ones((ei.shape[1],), dtype=h.dtype)
    row, col = ei[0], ei[1]
    # gcn_norm (symmetric, no extra self loops)
    deg = jnp.zeros((n,), dtype=h.dtype).at[col].add(ew)
    dinv = jnp.where(deg > 0, deg ** -0.5, 0.0)
    norm = dinv[row] * ew * dinv[col]
    # spmm: out[row] += norm * h[col]
    out = jnp.zeros((n, h.shape[1]), dtype=h.dtype).at[row].add(h[col] * norm[:, None])
    return out

if __name__ == "__main__":
    import jax
    _d = setup_inputs()
    print(jax.jit(kernel)(*tuple(_d.values())))

</pallas_src>

<mosaic_0001>
#map = affine_map<(d0, d1) -> (0, 0, 0)>
#map1 = affine_map<(d0, d1) -> (0)>
#map2 = affine_map<(d0, d1) -> (0, 0)>
module attributes {stable_mosaic.version = 14 : i64} {
  func.func @deg_kernel(%arg0: i32, %arg1: i32, %arg2: memref<32x80x128xi32, #tpu.memory_space<hbm>>, %arg3: memref<640xf32, #tpu.memory_space<hbm>>, %arg4: memref<2x10240xf32, #tpu.memory_space<hbm>>, %arg5: memref<80x128xi32, #tpu.memory_space<vmem>>, %arg6: memref<128xf32, #tpu.memory_space<vmem>>, %arg7: memref<10240xf32, #tpu.memory_space<vmem_shared>>) attributes {dimension_semantics = [#tpu.dimension_semantics<core_parallel>, #tpu.dimension_semantics<subcore_parallel>], iteration_bounds = array<i64: 2, 16>, scalar_prefetch = 0 : i64, scratch_operands = 3 : i64, tpu.core_type = #tpu.core_type<sc_vector_subcore>, window_params = [{transform_indices = #map}, {transform_indices = #map1}, {transform_indices = #map2}]} {
    %mul3A = arith.constant 2 : i32
    %mul3A_0 = arith.muli %arg1, %mul3A : i32
    %add3A = arith.addi %mul3A_0, %arg0 : i32
    %broadcast_in_dim3A = arith.constant 1.000000e+00 : f32
    %broadcast_in_dim3A_1 = vector.broadcast %broadcast_in_dim3A : f32 to vector<16xf32>
    %swap3A = arith.constant 0 : index
    %swap3A_2 = tpu.vector_load %arg6[%swap3A] {strides = array<i32>} : memref<128xf32, #tpu.memory_space<vmem>>, vector<16xf32>,
    %swap3A_3 = vector.shape_cast %swap3A_2 : vector<16xf32> to vector<16xf32>
    %swap3A_4 = vector.shape_cast %broadcast_in_dim3A_1 : vector<16xf32> to vector<16xf32>
    tpu.vector_store %arg6[%swap3A], %swap3A_4 {strides = array<i32>} : memref<128xf32, #tpu.memory_space<vmem>>, vector<16xf32>,
    %broadcast_in_dim3A_5 = arith.constant 1.000000e+00 : f32
    %broadcast_in_dim3A_6 = vector.broadcast %broadcast_in_dim3A_5 : f32 to vector<16xf32>
    %swap3A_7 = arith.constant 16 : index
    %swap3A_8 = tpu.vector_load %arg6[%swap3A_7] {strides = array<i32>} : memref<128xf32, #tpu.memory_space<vmem>>, vector<16xf32>,
    %swap3A_9 = vector.shape_cast %swap3A_8 : vector<16xf32> to vector<16xf32>
    %swap3A_10 = vector.shape_cast %broadcast_in_dim3A_6 : vector<16xf32> to vector<16xf32>
    tpu.vector_store %arg6[%swap3A_7], %swap3A_10 {strides = array<i32>} : memref<128xf32, #tpu.memory_space<vmem>>, vector<16xf32>,
    %broadcast_in_dim3A_11 = arith.constant 1.000000e+00 : f32
    %broadcast_in_dim3A_12 = vector.broadcast %broadcast_in_dim3A_11 : f32 to vector<16xf32>
    %swap3A_13 = arith.constant 32 : index
    %swap3A_14 = tpu.vector_load %arg6[%swap3A_13] {strides = array<i32>} : memref<128xf32, #tpu.memory_space<vmem>>, vector<16xf32>,
    %swap3A_15 = vector.shape_cast %swap3A_14 : vector<16xf32> to vector<16xf32>
    %swap3A_16 = vector.shape_cast %broadcast_in_dim3A_12 : vector<16xf32> to vector<16xf32>
    tpu.vector_store %arg6[%swap3A_13], %swap3A_16 {strides = array<i32>} : memref<128xf32, #tpu.memory_space<vmem>>, vector<16xf32>,
    %broadcast_in_dim3A_17 = arith.constant 1.000000e+00 : f32
    %broadcast_in_dim3A_18 = vector.broadcast %broadcast_in_dim3A_17 : f32 to vector<16xf32>
    %swap3A_19 = arith.constant 48 : index
    %swap3A_20 = tpu.vector_load %arg6[%swap3A_19] {strides = array<i32>} : memref<128xf32, #tpu.memory_space<vmem>>, vector<16xf32>,
    %swap3A_21 = vector.shape_cast %swap3A_20 : vector<16xf32> to vector<16xf32>
    %swap3A_22 = vector.shape_cast %broadcast_in_dim3A_18 : vector<16xf32> to vector<16xf32>
    tpu.vector_store %arg6[%swap3A_19], %swap3A_22 {strides = array<i32>} : memref<128xf32, #tpu.memory_space<vmem>>, vector<16xf32>,
    %broadcast_in_dim3A_23 = arith.constant 1.000000e+00 : f32
    %broadcast_in_dim3A_24 = vector.broadcast %broadcast_in_dim3A_23 : f32 to vector<16xf32>
    %swap3A_25 = arith.constant 64 : index
    %swap3A_26 = tpu.vector_load %arg6[%swap3A_25] {strides = array<i32>} : memref<128xf32, #tpu.memory_space<vmem>>, vector<16xf32>,
    %swap3A_27 = vector.shape_cast %swap3A_26 : vector<16xf32> to vector<16xf32>
    %swap3A_28 = vector.shape_cast %broadcast_in_dim3A_24 : vector<16xf32> to vector<16xf32>
    tpu.vector_store %arg6[%swap3A_25], %swap3A_28 {strides = array<i32>} : memref<128xf32, #tpu.memory_space<vmem>>, vector<16xf32>,
    %broadcast_in_dim3A_29 = arith.constant 1.000000e+00 : f32
    %broadcast_in_dim3A_30 = vector.broadcast %broadcast_in_dim3A_29 : f32 to vector<16xf32>
    %swap3A_31 = arith.constant 80 : index
    %swap3A_32 = tpu.vector_load %arg6[%swap3A_31] {strides = array<i32>} : memref<128xf32, #tpu.memory_space<vmem>>, vector<16xf32>,
    %swap3A_33 = vector.shape_cast %swap3A_32 : vector<16xf32> to vector<16xf32>
    %swap3A_34 = vector.shape_cast %broadcast_in_dim3A_30 : vector<16xf32> to vector<16xf32>
    tpu.vector_store %arg6[%swap3A_31], %swap3A_34 {strides = array<i32>} : memref<128xf32, #tpu.memory_space<vmem>>, vector<16xf32>,
    %broadcast_in_dim3A_35 = arith.constant 1.000000e+00 : f32
    %broadcast_in_dim3A_36 = vector.broadcast %broadcast_in_dim3A_35 : f32 to vector<16xf32>
    %swap3A_37 = arith.constant 96 : index
    %swap3A_38 = tpu.vector_load %arg6[%swap3A_37] {strides = array<i32>} : memref<128xf32, #tpu.memory_space<vmem>>, vector<16xf32>,
    %swap3A_39 = vector.shape_cast %swap3A_38 : vector<16xf32> to vector<16xf32>
    %swap3A_40 = vector.shape_cast %broadcast_in_dim3A_36 : vector<16xf32> to vector<16xf32>
    tpu.vector_store %arg6[%swap3A_37], %swap3A_40 {strides = array<i32>} : memref<128xf32, #tpu.memory_space<vmem>>, vector<16xf32>,
    %broadcast_in_dim3A_41 = arith.constant 1.000000e+00 : f32
    %broadcast_in_dim3A_42 = vector.broadcast %broadcast_in_dim3A_41 : f32 to vector<16xf32>
    %swap3A_43 = arith.constant 112 : index
    %swap3A_44 = tpu.vector_load %arg6[%swap3A_43] {strides = array<i32>} : memref<128xf32, #tpu.memory_space<vmem>>, vector<16xf32>,
    %swap3A_45 = vector.shape_cast %swap3A_44 : vector<16xf32> to vector<16xf32>
    %swap3A_46 = vector.shape_cast %broadcast_in_dim3A_42 : vector<16xf32> to vector<16xf32>
    tpu.vector_store %arg6[%swap3A_43], %swap3A_46 {strides = array<i32>} : memref<128xf32, #tpu.memory_space<vmem>>, vector<16xf32>,
    %mul3A_47 = arith.constant 640 : i32
    %mul3A_48 = arith.muli %arg1, %mul3A_47 : i32
    "tpu.region"() ({
      %run_scoped3A = tpu.sem_alloc : memref<!tpu.dma_semaphore, #tpu.memory_space<semaphore_mem>>
      %dma_start3A = tpu.memref_slice %arg7[%mul3A_48] : memref<10240xf32, #tpu.memory_space<vmem_shared>> -> memref<640xf32, #tpu.memory_space<vmem_shared>>
      tpu.enqueue_dma source(%arg3 : memref<640xf32, #tpu.memory_space<hbm>>) target(%dma_start3A : memref<640xf32, #tpu.memory_space<vmem_shared>>) target_semaphore(%run_scoped3A : memref<!tpu.dma_semaphore, #tpu.memory_space<semaphore_mem>>)
      %dma_wait3A = tpu.memref_slice %arg7[%mul3A_48] : memref<10240xf32, #tpu.memory_space<vmem_shared>> -> memref<640xf32, #tpu.memory_space<vmem_shared>>
      tpu.wait_dma2 semaphore(%run_scoped3A : memref<!tpu.dma_semaphore, #tpu.memory_space<semaphore_mem>>) src(%arg3 : memref<640xf32, #tpu.memory_space<hbm>>) dst(%dma_wait3A : memref<640xf32, #tpu.memory_space<vmem_shared>>)
      tpu.yield
    }) : () -> ()
    "tpu.region"() ({
      %run_scoped3A = tpu.sem_alloc : memref<!tpu.dma_semaphore, #tpu.memory_space<semaphore_mem>>
      %dma_start3A = arith.constant 0 : i32
      %dma_start3A_59 = arith.constant 0 : i32
      %dma_start3A_60 = tpu.memref_slice %arg2[%add3A, %dma_start3A, %dma_start3A_59] : memref<32x80x128xi32, #tpu.memory_space<hbm>> -> memref<1x80x128xi32, #tpu.memory_space<hbm>>
      %dma_start3A_61 = tpu.memref_squeeze %dma_start3A_60 : memref<1x80x128xi32, #tpu.memory_space<hbm>> -> memref<80x128xi32, #tpu.memory_space<hbm>>
      %dma_start3A_62 = arith.constant 0 : i32
      %dma_start3A_63 = arith.constant 0 : i32
      %dma_start3A_64 = tpu.memref_slice %arg2[%add3A, %dma_start3A_62, %dma_start3A_63] : memref<32x80x128xi32, #tpu.memory_space<hbm>> -> memref<1x80x128xi32, #tpu.memory_space<hbm>>
      %dma_start3A_65 = tpu.memref_squeeze %dma_start3A_64 : memref<1x80x128xi32, #tpu.memory_space<hbm>> -> memref<80x128xi32, #tpu.memory_space<hbm>>
      tpu.enqueue_dma source(%dma_start3A_65 : memref<80x128xi32, #tpu.memory_space<hbm>>) target(%arg5 : memref<80x128xi32, #tpu.memory_space<vmem>>) target_semaphore(%run_scoped3A : memref<!tpu.dma_semaphore, #tpu.memory_space<semaphore_mem>>)
      %dma_wait3A = arith.constant 0 : i32
      %dma_wait3A_66 = arith.constant 0 : i32
      %dma_wait3A_67 = tpu.memref_slice %arg2[%add3A, %dma_wait3A, %dma_wait3A_66] : memref<32x80x128xi32, #tpu.memory_space<hbm>> -> memref<1x80x128xi32, #tpu.memory_space<hbm>>
      %dma_wait3A_68 = tpu.memref_squeeze %dma_wait3A_67 : memref<1x80x128xi32, #tpu.memory_space<hbm>> -> memref<80x128xi32, #tpu.memory_space<hbm>>
      %dma_wait3A_69 = arith.constant 0 : i32
      %dma_wait3A_70 = arith.constant 0 : i32
      %dma_wait3A_71 = tpu.memref_slice %arg2[%add3A, %dma_wait3A_69, %dma_wait3A_70] : memref<32x80x128xi32, #tpu.memory_space<hbm>> -> memref<1x80x128xi32, #tpu.memory_space<hbm>>
      %dma_wait3A_72 = tpu.memref_squeeze %dma_wait3A_71 : memref<1x80x128xi32, #tpu.memory_space<hbm>> -> memref<80x128xi32, #tpu.memory_space<hbm>>
      tpu.wait_dma2 semaphore(%run_scoped3A : memref<!tpu.dma_semaphore, #tpu.memory_space<semaphore_mem>>) src(%dma_wait3A_72 : memref<80x128xi32, #tpu.memory_space<hbm>>) dst(%arg5 : memref<80x128xi32, #tpu.memory_space<vmem>>)
      tpu.yield
    }) : () -> ()
    %barrier3A = arith.constant 0 : index
    tpu.barrier barrier_id(%barrier3A)
    %scan3A = arith.constant 0 : i32
    %scan3A_49 = arith.constant 0 : i32
    %scan3A_50 = arith.constant 80 : i32
    %scan3A_51 = arith.addi %scan3A_49, %scan3A_50 : i32
    %scan3A_52 = arith.constant 1 : i32
    scf.for %scan3A_59 = %scan3A_49 to %scan3A_51 step %scan3A_52  : i32 {
      "tpu.region"() ({
        %run_scoped3A = tpu.sem_alloc : memref<!tpu.dma_semaphore, #tpu.memory_space<semaphore_mem>>
        %dma_start3A = arith.constant 0 : i32
        %dma_start3A_60 = tpu.memref_slice %arg5[%scan3A_59, %dma_start3A] : memref<80x128xi32, #tpu.memory_space<vmem>> -> memref<1x128xi32, #tpu.memory_space<vmem>>
        %dma_start3A_61 = tpu.memref_squeeze %dma_start3A_60 : memref<1x128xi32, #tpu.memory_space<vmem>> -> memref<128xi32, #tpu.memory_space<vmem>>
        %dma_start3A_62 = arith.constant 0 : i32
        %dma_start3A_63 = tpu.memref_slice %arg7[%dma_start3A_62] : memref<10240xf32, #tpu.memory_space<vmem_shared>> -> memref<10240xf32, #tpu.memory_space<vmem_shared>>
        tpu.enqueue_indirect_dma source(%arg6 : memref<128xf32, #tpu.memory_space<vmem>>) target(%dma_start3A_63 : memref<10240xf32, #tpu.memory_space<vmem_shared>>) offsets(%dma_start3A_61 : memref<128xi32, #tpu.memory_space<vmem>>) semaphore(%run_scoped3A : memref<!tpu.dma_semaphore, #tpu.memory_space<semaphore_mem>>) {add = true}
        %dma_wait3A = arith.constant 0 : i32
        %dma_wait3A_64 = tpu.memref_slice %arg5[%scan3A_59, %dma_wait3A] : memref<80x128xi32, #tpu.memory_space<vmem>> -> memref<1x128xi32, #tpu.memory_space<vmem>>
        %dma_wait3A_65 = tpu.memref_squeeze %dma_wait3A_64 : memref<1x128xi32, #tpu.memory_space<vmem>> -> memref<128xi32, #tpu.memory_space<vmem>>
        %dma_wait3A_66 = arith.constant 0 : i32
        %dma_wait3A_67 = tpu.memref_slice %arg7[%dma_wait3A_66] : memref<10240xf32, #tpu.memory_space<vmem_shared>> -> memref<10240xf32, #tpu.memory_space<vmem_shared>>
        tpu.wait_indirect_dma semaphore(%run_scoped3A : memref<!tpu.dma_semaphore, #tpu.memory_space<semaphore_mem>>) src(%arg6 : memref<128xf32, #tpu.memory_space<vmem>>) dst(%dma_wait3A_67 : memref<10240xf32, #tpu.memory_space<vmem_shared>>)
        tpu.yield
      }) : () -> ()
    }
    %scan3A_53 = arith.constant 80 : i32
    %barrier3A_54 = arith.constant 0 : index
    tpu.barrier barrier_id(%barrier3A_54)
    %mul3A_55 = arith.constant 640 : i32
    %mul3A_56 = arith.muli %arg1, %mul3A_55 : i32
    %mul3A_57 = arith.constant 640 : i32
    %mul3A_58 = arith.muli %arg1, %mul3A_57 : i32
    "tpu.region"() ({
      %run_scoped3A = tpu.sem_alloc : memref<!tpu.dma_semaphore, #tpu.memory_space<semaphore_mem>>
      %dma_start3A = tpu.memref_slice %arg4[%arg0, %mul3A_58] : memref<2x10240xf32, #tpu.memory_space<hbm>> -> memref<1x640xf32, #tpu.memory_space<hbm>>
      %dma_start3A_59 = tpu.memref_squeeze %dma_start3A : memref<1x640xf32, #tpu.memory_space<hbm>> -> memref<640xf32, #tpu.memory_space<hbm>>
      %dma_start3A_60 = tpu.memref_slice %arg7[%mul3A_56] : memref<10240xf32, #tpu.memory_space<vmem_shared>> -> memref<640xf32, #tpu.memory_space<vmem_shared>>
      tpu.enqueue_dma source(%dma_start3A_60 : memref<640xf32, #tpu.memory_space<vmem_shared>>) target(%dma_start3A_59 : memref<640xf32, #tpu.memory_space<hbm>>) target_semaphore(%run_scoped3A : memref<!tpu.dma_semaphore, #tpu.memory_space<semaphore_mem>>)
      %dma_wait3A = tpu.memref_slice %arg4[%arg0, %mul3A_58] : memref<2x10240xf32, #tpu.memory_space<hbm>> -> memref<1x640xf32, #tpu.memory_space<hbm>>
      %dma_wait3A_61 = tpu.memref_squeeze %dma_wait3A : memref<1x640xf32, #tpu.memory_space<hbm>> -> memref<640xf32, #tpu.memory_space<hbm>>
      %dma_wait3A_62 = tpu.memref_slice %arg7[%mul3A_56] : memref<10240xf32, #tpu.memory_space<vmem_shared>> -> memref<640xf32, #tpu.memory_space<vmem_shared>>
      tpu.wait_dma2 semaphore(%run_scoped3A : memref<!tpu.dma_semaphore, #tpu.memory_space<semaphore_mem>>) src(%dma_wait3A_62 : memref<640xf32, #tpu.memory_space<vmem_shared>>) dst(%dma_wait3A_61 : memref<640xf32, #tpu.memory_space<hbm>>)
      tpu.yield
    }) : () -> ()
    return
  }
}

#map = affine_map<(d0, d1) -> (0, 0)>
#map1 = affine_map<(d0, d1) -> (0, 0, 0)>
module attributes {stable_mosaic.version = 14 : i64} {
  func.func @spmm_kernel(%arg0: i32, %arg1: i32, %arg2: memref<10240x128xf32, #tpu.memory_space<hbm>>, %arg3: memref<32x80x128xi32, #tpu.memory_space<hbm>>, %arg4: memref<640x128xf32, #tpu.memory_space<hbm>>, %arg5: memref<2x10240x128xf32, #tpu.memory_space<hbm>>, %arg6: memref<80x128xi32, #tpu.memory_space<vmem>>, %arg7: memref<1x128xi32, #tpu.memory_space<vmem>>, %arg8: memref<1x128xi32, #tpu.memory_space<vmem>>, %arg9: memref<1x128xi32, #tpu.memory_space<vmem>>, %arg10: memref<1x128xi32, #tpu.memory_space<vmem>>, %arg11: memref<128x128xf32, #tpu.memory_space<vmem>>, %arg12: memref<128x128xf32, #tpu.memory_space<vmem>>, %arg13: memref<!tpu.dma_semaphore, #tpu.memory_space<semaphore_mem>>, %arg14: memref<!tpu.dma_semaphore, #tpu.memory_space<semaphore_mem>>, %arg15: memref<10240x128xf32, #tpu.memory_space<vmem_shared>>) attributes {dimension_semantics = [#tpu.dimension_semantics<core_parallel>, #tpu.dimension_semantics<subcore_parallel>], iteration_bounds = array<i64: 2, 16>, scalar_prefetch = 0 : i64, scratch_operands = 10 : i64, tpu.core_type = #tpu.core_type<sc_vector_subcore>, window_params = [{transform_indices = #map}, {transform_indices = #map1}, {transform_indices = #map}, {transform_indices = #map1}]} {
    %mul3A = arith.constant 2 : i32
    %mul3A_0 = arith.muli %arg1, %mul3A : i32
    %add3A = arith.addi %mul3A_0, %arg0 : i32
    %mul3A_1 = arith.constant 640 : i32
    %mul3A_2 = arith.muli %arg1, %mul3A_1 : i32
    "tpu.region"() ({
      %run_scoped3A_404 = tpu.sem_alloc : memref<!tpu.dma_semaphore, #tpu.memory_space<semaphore_mem>>
      %dma_start3A_405 = arith.constant 0 : i32
      %dma_start3A_406 = tpu.memref_slice %arg15[%mul3A_2, %dma_start3A_405] : memref<10240x128xf32, #tpu.memory_space<vmem_shared>> -> memref<640x128xf32, #tpu.memory_space<vmem_shared>>
      tpu.enqueue_dma source(%arg4 : memref<640x128xf32, #tpu.memory_space<hbm>>) target(%dma_start3A_406 : memref<640x128xf32, #tpu.memory_space<vmem_shared>>) target_semaphore(%run_scoped3A_404 : memref<!tpu.dma_semaphore, #tpu.memory_space<semaphore_mem>>)
      %dma_wait3A_407 = arith.constant 0 : i32
      %dma_wait3A_408 = tpu.memref_slice %arg15[%mul3A_2, %dma_wait3A_407] : memref<10240x128xf32, #tpu.memory_space<vmem_shared>> -> memref<640x128xf32, #tpu.memory_space<vmem_shared>>
      tpu.wait_dma2 semaphore(%run_scoped3A_404 : memref<!tpu.dma_semaphore, #tpu.memory_space<semaphore_mem>>) src(%arg4 : memref<640x128xf32, #tpu.memory_space<hbm>>) dst(%dma_wait3A_408 : memref<640x128xf32, #tpu.memory_space<vmem_shared>>)
      tpu.yield
    }) : () -> ()
    "tpu.region"() ({
      %run_scoped3A_404 = tpu.sem_alloc : memref<!tpu.dma_semaphore, #tpu.memory_space<semaphore_mem>>
      %dma_start3A_405 = arith.constant 0 : i32
      %dma_start3A_406 = arith.constant 0 : i32
      %dma_start3A_407 = tpu.memref_slice %arg3[%add3A, %dma_start3A_405, %dma_start3A_406] : memref<32x80x128xi32, #tpu.memory_space<hbm>> -> memref<1x80x128xi32, #tpu.memory_space<hbm>>
      %dma_start3A_408 = tpu.memref_squeeze %dma_start3A_407 : memref<1x80x128xi32, #tpu.memory_space<hbm>> -> memref<80x128xi32, #tpu.memory_space<hbm>>
      %dma_start3A_409 = arith.constant 0 : i32
      %dma_start3A_410 = arith.constant 0 : i32
      %dma_start3A_411 = tpu.memref_slice %arg3[%add3A, %dma_start3A_409, %dma_start3A_410] : memref<32x80x128xi32, #tpu.memory_space<hbm>> -> memref<1x80x128xi32, #tpu.memory_space<hbm>>
      %dma_start3A_412 = tpu.memref_squeeze %dma_start3A_411 : memref<1x80x128xi32, #tpu.memory_space<hbm>> -> memref<80x128xi32, #tpu.memory_space<hbm>>
      tpu.enqueue_dma source(%dma_start3A_412 : memref<80x128xi32, #tpu.memory_space<hbm>>) target(%arg6 : memref<80x128xi32, #tpu.memory_space<vmem>>) target_semaphore(%run_scoped3A_404 : memref<!tpu.dma_semaphore, #tpu.memory_space<semaphore_mem>>)
      %dma_wait3A_413 = arith.constant 0 : i32
      %dma_wait3A_414 = arith.constant 0 : i32
      %dma_wait3A_415 = tpu.memref_slice %arg3[%add3A, %dma_wait3A_413, %dma_wait3A_414] : memref<32x80x128xi32, #tpu.memory_space<hbm>> -> memref<1x80x128xi32, #tpu.memory_space<hbm>>
      %dma_wait3A_416 = tpu.memref_squeeze %dma_wait3A_415 : memref<1x80x128xi32, #tpu.memory_space<hbm>> -> memref<80x128xi32, #tpu.memory_space<hbm>>
      %dma_wait3A_417 = arith.constant 0 : i32
      %dma_wait3A_418 = arith.constant 0 : i32
      %dma_wait3A_419 = tpu.memref_slice %arg3[%add3A, %dma_wait3A_417, %dma_wait3A_418] : memref<32x80x128xi32, #tpu.memory_space<hbm>> -> memref<1x80x128xi32, #tpu.memory_space<hbm>>
      %dma_wait3A_420 = tpu.memref_squeeze %dma_wait3A_419 : memref<1x80x128xi32, #tpu.memory_space<hbm>> -> memref<80x128xi32, #tpu.memory_space<hbm>>
      tpu.wait_dma2 semaphore(%run_scoped3A_404 : memref<!tpu.dma_semaphore, #tpu.memory_space<semaphore_mem>>) src(%dma_wait3A_420 : memref<80x128xi32, #tpu.memory_space<hbm>>) dst(%arg6 : memref<80x128xi32, #tpu.memory_space<vmem>>)
      tpu.yield
    }) : () -> ()
    %barrier3A = arith.constant 0 : index
    tpu.barrier barrier_id(%barrier3A)
    %get3A = arith.constant 0 : i32
    %get3A_3 = arith.index_cast %get3A : i32 to index
    %get3A_4 = arith.constant 0 : index
    %get3A_5 = tpu.vector_load %arg6[%get3A_3, %get3A_4] {strides = array<i32>} : memref<80x128xi32, #tpu.memory_space<vmem>>, vector<1x16xi32>,
    %get3A_6 = vector.shape_cast %get3A_5 : vector<1x16xi32> to vector<16xi32>
    %shift_right_logical3A = arith.constant 14 : i32
    %shift_right_logical3A_7 = vector.broadcast %shift_right_logical3A : i32 to vector<16xi32>
    %shift_right_logical3A_8 = arith.shrui %get3A_6, %shift_right_logical3A_7 : vector<16xi32>
    %swap3A = arith.constant 0 : i32
    %swap3A_9 = arith.index_cast %swap3A : i32 to index
    %swap3A_10 = arith.constant 0 : index
    %swap3A_11 = tpu.vector_load %arg7[%swap3A_9, %swap3A_10] {strides = array<i32>} : memref<1x128xi32, #tpu.memory_space<vmem>>, vector<1x16xi32>,
    %swap3A_12 = vector.shape_cast %swap3A_11 : vector<1x16xi32> to vector<16xi32>
    %swap3A_13 = vector.shape_cast %shift_right_logical3A_8 : vector<16xi32> to vector<1x16xi32>
    tpu.vector_store %arg7[%swap3A_9, %swap3A_10], %swap3A_13 {strides = array<i32>} : memref<1x128xi32, #tpu.memory_space<vmem>>, vector<1x16xi32>,
    %and3A = arith.constant 16383 : i32
    %and3A_14 = vector.broadcast %and3A : i32 to vector<16xi32>
    %and3A_15 = arith.andi %get3A_6, %and3A_14 : vector<16xi32>
    %swap3A_16 = arith.constant 0 : i32
    %swap3A_17 = arith.index_cast %swap3A_16 : i32 to index
    %swap3A_18 = arith.constant 0 : index
    %swap3A_19 = tpu.vector_load %arg9[%swap3A_17, %swap3A_18] {strides = array<i32>} : memref<1x128xi32, #tpu.memory_space<vmem>>, vector<1x16xi32>,
    %swap3A_20 = vector.shape_cast %swap3A_19 : vector<1x16xi32> to vector<16xi32>
    %swap3A_21 = vector.shape_cast %and3A_15 : vector<16xi32> to vector<1x16xi32>
    tpu.vector_store %arg9[%swap3A_17, %swap3A_18], %swap3A_21 {strides = array<i32>} : memref<1x128xi32, #tpu.memory_space<vmem>>, vector<1x16xi32>,
    %get3A_22 = arith.constant 0 : i32
    %get3A_23 = arith.index_cast %get3A_22 : i32 to index
    %get3A_24 = arith.constant 16 : index
    %get3A_25 = tpu.vector_load %arg6[%get3A_23, %get3A_24] {strides = array<i32>} : memref<80x128xi32, #tpu.memory_space<vmem>>, vector<1x16xi32>,
    %get3A_26 = vector.shape_cast %get3A_25 : vector<1x16xi32> to vector<16xi32>
    %shift_right_logical3A_27 = arith.constant 14 : i32
    %shift_right_logical3A_28 = vector.broadcast %shift_right_logical3A_27 : i32 to vector<16xi32>
    %shift_right_logical3A_29 = arith.shrui %get3A_26, %shift_right_logical3A_28 : vector<16xi32>
    %swap3A_30 = arith.constant 0 : i32
    %swap3A_31 = arith.index_cast %swap3A_30 : i32 to index
    %swap3A_32 = arith.constant 16 : index
    %swap3A_33 = tpu.vector_load %arg7[%swap3A_31, %swap3A_32] {strides = array<i32>} : memref<1x128xi32, #tpu.memory_space<vmem>>, vector<1x16xi32>,
    %swap3A_34 = vector.shape_cast %swap3A_33 : vector<1x16xi32> to vector<16xi32>
    %swap3A_35 = vector.shape_cast %shift_right_logical3A_29 : vector<16xi32> to vector<1x16xi32>
    tpu.vector_store %arg7[%swap3A_31, %swap3A_32], %swap3A_35 {strides = array<i32>} : memref<1x128xi32, #tpu.memory_space<vmem>>, vector<1x16xi32>,
    %and3A_36 = arith.constant 16383 : i32
    %and3A_37 = vector.broadcast %and3A_36 : i32 to vector<16xi32>
    %and3A_38 = arith.andi %get3A_26, %and3A_37 : vector<16xi32>
    %swap3A_39 = arith.constant 0 : i32
    %swap3A_40 = arith.index_cast %swap3A_39 : i32 to index
    %swap3A_41 = arith.constant 16 : index
    %swap3A_42 = tpu.vector_load %arg9[%swap3A_40, %swap3A_41] {strides = array<i32>} : memref<1x128xi32, #tpu.memory_space<vmem>>, vector<1x16xi32>,
    %swap3A_43 = vector.shape_cast %swap3A_42 : vector<1x16xi32> to vector<16xi32>
    %swap3A_44 = vector.shape_cast %and3A_38 : vector<16xi32> to vector<1x16xi32>
    tpu.vector_store %arg9[%swap3A_40, %swap3A_41], %swap3A_44 {strides = array<i32>} : memref<1x128xi32, #tpu.memory_space<vmem>>, vector<1x16xi32>,
    %get3A_45 = arith.constant 0 : i32
    %get3A_46 = arith.index_cast %get3A_45 : i32 to index
    %get3A_47 = arith.constant 32 : index
    %get3A_48 = tpu.vector_load %arg6[%get3A_46, %get3A_47] {strides = array<i32>} : memref<80x128xi32, #tpu.memory_space<vmem>>, vector<1x16xi32>,
    %get3A_49 = vector.shape_cast %get3A_48 : vector<1x16xi32> to vector<16xi32>
    %shift_right_logical3A_50 = arith.constant 14 : i32
    %shift_right_logical3A_51 = vector.broadcast %shift_right_logical3A_50 : i32 to vector<16xi32>
    %shift_right_logical3A_52 = arith.shrui %get3A_49, %shift_right_logical3A_51 : vector<16xi32>
    %swap3A_53 = arith.constant 0 : i32
    %swap3A_54 = arith.index_cast %swap3A_53 : i32 to index
    %swap3A_55 = arith.constant 32 : index
    %swap3A_56 = tpu.vector_load %arg7[%swap3A_54, %swap3A_55] {strides = array<i32>} : memref<1x128xi32, #tpu.memory_space<vmem>>, vector<1x16xi32>,
    %swap3A_57 = vector.shape_cast %swap3A_56 : vector<1x16xi32> to vector<16xi32>
    %swap3A_58 = vector.shape_cast %shift_right_logical3A_52 : vector<16xi32> to vector<1x16xi32>
    tpu.vector_store %arg7[%swap3A_54, %swap3A_55], %swap3A_58 {strides = array<i32>} : memref<1x128xi32, #tpu.memory_space<vmem>>, vector<1x16xi32>,
    %and3A_59 = arith.constant 16383 : i32
    %and3A_60 = vector.broadcast %and3A_59 : i32 to vector<16xi32>
    %and3A_61 = arith.andi %get3A_49, %and3A_60 : vector<16xi32>
    %swap3A_62 = arith.constant 0 : i32
    %swap3A_63 = arith.index_cast %swap3A_62 : i32 to index
    %swap3A_64 = arith.constant 32 : index
    %swap3A_65 = tpu.vector_load %arg9[%swap3A_63, %swap3A_64] {strides = array<i32>} : memref<1x128xi32, #tpu.memory_space<vmem>>, vector<1x16xi32>,
    %swap3A_66 = vector.shape_cast %swap3A_65 : vector<1x16xi32> to vector<16xi32>
    %swap3A_67 = vector.shape_cast %and3A_61 : vector<16xi32> to vector<1x16xi32>
    tpu.vector_store %arg9[%swap3A_63, %swap3A_64], %swap3A_67 {strides = array<i32>} : memref<1x128xi32, #tpu.memory_space<vmem>>, vector<1x16xi32>,
    %get3A_68 = arith.constant 0 : i32
    %get3A_69 = arith.index_cast %get3A_68 : i32 to index
    %get3A_70 = arith.constant 48 : index
    %get3A_71 = tpu.vector_load %arg6[%get3A_69, %get3A_70] {strides = array<i32>} : memref<80x128xi32, #tpu.memory_space<vmem>>, vector<1x16xi32>,
    %get3A_72 = vector.shape_cast %get3A_71 : vector<1x16xi32> to vector<16xi32>
    %shift_right_logical3A_73 = arith.constant 14 : i32
    %shift_right_logical3A_74 = vector.broadcast %shift_right_logical3A_73 : i32 to vector<16xi32>
    %shift_right_logical3A_75 = arith.shrui %get3A_72, %shift_right_logical3A_74 : vector<16xi32>
    %swap3A_76 = arith.constant 0 : i32
    %swap3A_77 = arith.index_cast %swap3A_76 : i32 to index
    %swap3A_78 = arith.constant 48 : index
    %swap3A_79 = tpu.vector_load %arg7[%swap3A_77, %swap3A_78] {strides = array<i32>} : memref<1x128xi32, #tpu.memory_space<vmem>>, vector<1x16xi32>,
    %swap3A_80 = vector.shape_cast %swap3A_79 : vector<1x16xi32> to vector<16xi32>
    %swap3A_81 = vector.shape_cast %shift_right_logical3A_75 : vector<16xi32> to vector<1x16xi32>
    tpu.vector_store %arg7[%swap3A_77, %swap3A_78], %swap3A_81 {strides = array<i32>} : memref<1x128xi32, #tpu.memory_space<vmem>>, vector<1x16xi32>,
    %and3A_82 = arith.constant 16383 : i32
    %and3A_83 = vector.broadcast %and3A_82 : i32 to vector<16xi32>
    %and3A_84 = arith.andi %get3A_72, %and3A_83 : vector<16xi32>
    %swap3A_85 = arith.constant 0 : i32
    %swap3A_86 = arith.index_cast %swap3A_85 : i32 to index
    %swap3A_87 = arith.constant 48 : index
    %swap3A_88 = tpu.vector_load %arg9[%swap3A_86, %swap3A_87] {strides = array<i32>} : memref<1x128xi32, #tpu.memory_space<vmem>>, vector<1x16xi32>,
    %swap3A_89 = vector.shape_cast %swap3A_88 : vector<1x16xi32> to vector<16xi32>
    %swap3A_90 = vector.shape_cast %and3A_84 : vector<16xi32> to vector<1x16xi32>
    tpu.vector_store %arg9[%swap3A_86, %swap3A_87], %swap3A_90 {strides = array<i32>} : memref<1x128xi32, #tpu.memory_space<vmem>>, vector<1x16xi32>,
    %get3A_91 = arith.constant 0 : i32
    %get3A_92 = arith.index_cast %get3A_91 : i32 to index
    %get3A_93 = arith.constant 64 : index
    %get3A_94 = tpu.vector_load %arg6[%get3A_92, %get3A_93] {strides = array<i32>} : memref<80x128xi32, #tpu.memory_space<vmem>>, vector<1x16xi32>,
    %get3A_95 = vector.shape_cast %get3A_94 : vector<1x16xi32> to vector<16xi32>
    %shift_right_logical3A_96 = arith.constant 14 : i32
    %shift_right_logical3A_97 = vector.broadcast %shift_right_logical3A_96 : i32 to vector<16xi32>
    %shift_right_logical3A_98 = arith.shrui %get3A_95, %shift_right_logical3A_97 : vector<16xi32>
    %swap3A_99 = arith.constant 0 : i32
    %swap3A_100 = arith.index_cast %swap3A_99 : i32 to index
    %swap3A_101 = arith.constant 64 : index
    %swap3A_102 = tpu.vector_load %arg7[%swap3A_100, %swap3A_101] {strides = array<i32>} : memref<1x128xi32, #tpu.memory_space<vmem>>, vector<1x16xi32>,
    %swap3A_103 = vector.shape_cast %swap3A_102 : vector<1x16xi32> to vector<16xi32>
    %swap3A_104 = vector.shape_cast %shift_right_logical3A_98 : vector<16xi32> to vector<1x16xi32>
    tpu.vector_store %arg7[%swap3A_100, %swap3A_101], %swap3A_104 {strides = array<i32>} : memref<1x128xi32, #tpu.memory_space<vmem>>, vector<1x16xi32>,
    %and3A_105 = arith.constant 16383 : i32
    %and3A_106 = vector.broadcast %and3A_105 : i32 to vector<16xi32>
    %and3A_107 = arith.andi %get3A_95, %and3A_106 : vector<16xi32>
    %swap3A_108 = arith.constant 0 : i32
    %swap3A_109 = arith.index_cast %swap3A_108 : i32 to index
    %swap3A_110 = arith.constant 64 : index
    %swap3A_111 = tpu.vector_load %arg9[%swap3A_109, %swap3A_110] {strides = array<i32>} : memref<1x128xi32, #tpu.memory_space<vmem>>, vector<1x16xi32>,
    %swap3A_112 = vector.shape_cast %swap3A_111 : vector<1x16xi32> to vector<16xi32>
    %swap3A_113 = vector.shape_cast %and3A_107 : vector<16xi32> to vector<1x16xi32>
    tpu.vector_store %arg9[%swap3A_109, %swap3A_110], %swap3A_113 {strides = array<i32>} : memref<1x128xi32, #tpu.memory_space<vmem>>, vector<1x16xi32>,
    %get3A_114 = arith.constant 0 : i32
    %get3A_115 = arith.index_cast %get3A_114 : i32 to index
    %get3A_116 = arith.constant 80 : index
    %get3A_117 = tpu.vector_load %arg6[%get3A_115, %get3A_116] {strides = array<i32>} : memref<80x128xi32, #tpu.memory_space<vmem>>, vector<1x16xi32>,
    %get3A_118 = vector.shape_cast %get3A_117 : vector<1x16xi32> to vector<16xi32>
    %shift_right_logical3A_119 = arith.constant 14 : i32
    %shift_right_logical3A_120 = vector.broadcast %shift_right_logical3A_119 : i32 to vector<16xi32>
    %shift_right_logical3A_121 = arith.shrui %get3A_118, %shift_right_logical3A_120 : vector<16xi32>
    %swap3A_122 = arith.constant 0 : i32
    %swap3A_123 = arith.index_cast %swap3A_122 : i32 to index
    %swap3A_124 = arith.constant 80 : index
    %swap3A_125 = tpu.vector_load %arg7[%swap3A_123, %swap3A_124] {strides = array<i32>} : memref<1x128xi32, #tpu.memory_space<vmem>>, vector<1x16xi32>,
    %swap3A_126 = vector.shape_cast %swap3A_125 : vector<1x16xi32> to vector<16xi32>
    %swap3A_127 = vector.shape_cast %shift_right_logical3A_121 : vector<16xi32> to vector<1x16xi32>
    tpu.vector_store %arg7[%swap3A_123, %swap3A_124], %swap3A_127 {strides = array<i32>} : memref<1x128xi32, #tpu.memory_space<vmem>>, vector<1x16xi32>,
    %and3A_128 = arith.constant 16383 : i32
    %and3A_129 = vector.broadcast %and3A_128 : i32 to vector<16xi32>
    %and3A_130 = arith.andi %get3A_118, %and3A_129 : vector<16xi32>
    %swap3A_131 = arith.constant 0 : i32
    %swap3A_132 = arith.index_cast %swap3A_131 : i32 to index
    %swap3A_133 = arith.constant 80 : index
    %swap3A_134 = tpu.vector_load %arg9[%swap3A_132, %swap3A_133] {strides = array<i32>} : memref<1x128xi32, #tpu.memory_space<vmem>>, vector<1x16xi32>,
    %swap3A_135 = vector.shape_cast %swap3A_134 : vector<1x16xi32> to vector<16xi32>
    %swap3A_136 = vector.shape_cast %and3A_130 : vector<16xi32> to vector<1x16xi32>
    tpu.vector_store %arg9[%swap3A_132, %swap3A_133], %swap3A_136 {strides = array<i32>} : memref<1x128xi32, #tpu.memory_space<vmem>>, vector<1x16xi32>,
    %get3A_137 = arith.constant 0 : i32
    %get3A_138 = arith.index_cast %get3A_137 : i32 to index
    %get3A_139 = arith.constant 96 : index
    %get3A_140 = tpu.vector_load %arg6[%get3A_138, %get3A_139] {strides = array<i32>} : memref<80x128xi32, #tpu.memory_space<vmem>>, vector<1x16xi32>,
    %get3A_141 = vector.shape_cast %get3A_140 : vector<1x16xi32> to vector<16xi32>
    %shift_right_logical3A_142 = arith.constant 14 : i32
    %shift_right_logical3A_143 = vector.broadcast %shift_right_logical3A_142 : i32 to vector<16xi32>
    %shift_right_logical3A_144 = arith.shrui %get3A_141, %shift_right_logical3A_143 : vector<16xi32>
    %swap3A_145 = arith.constant 0 : i32
    %swap3A_146 = arith.index_cast %swap3A_145 : i32 to index
    %swap3A_147 = arith.constant 96 : index
    %swap3A_148 = tpu.vector_load %arg7[%swap3A_146, %swap3A_147] {strides = array<i32>} : memref<1x128xi32, #tpu.memory_space<vmem>>, vector<1x16xi32>,
    %swap3A_149 = vector.shape_cast %swap3A_148 : vector<1x16xi32> to vector<16xi32>
    %swap3A_150 = vector.shape_cast %shift_right_logical3A_144 : vector<16xi32> to vector<1x16xi32>
    tpu.vector_store %arg7[%swap3A_146, %swap3A_147], %swap3A_150 {strides = array<i32>} : memref<1x128xi32, #tpu.memory_space<vmem>>, vector<1x16xi32>,
    %and3A_151 = arith.constant 16383 : i32
    %and3A_152 = vector.broadcast %and3A_151 : i32 to vector<16xi32>
    %and3A_153 = arith.andi %get3A_141, %and3A_152 : vector<16xi32>
    %swap3A_154 = arith.constant 0 : i32
    %swap3A_155 = arith.index_cast %swap3A_154 : i32 to index
    %swap3A_156 = arith.constant 96 : index
    %swap3A_157 = tpu.vector_load %arg9[%swap3A_155, %swap3A_156] {strides = array<i32>} : memref<1x128xi32, #tpu.memory_space<vmem>>, vector<1x16xi32>,
    %swap3A_158 = vector.shape_cast %swap3A_157 : vector<1x16xi32> to vector<16xi32>
    %swap3A_159 = vector.shape_cast %and3A_153 : vector<16xi32> to vector<1x16xi32>
    tpu.vector_store %arg9[%swap3A_155, %swap3A_156], %swap3A_159 {strides = array<i32>} : memref<1x128xi32, #tpu.memory_space<vmem>>, vector<1x16xi32>,
    %get3A_160 = arith.constant 0 : i32
    %get3A_161 = arith.index_cast %get3A_160 : i32 to index
    %get3A_162 = arith.constant 112 : index
    %get3A_163 = tpu.vector_load %arg6[%get3A_161, %get3A_162] {strides = array<i32>} : memref<80x128xi32, #tpu.memory_space<vmem>>, vector<1x16xi32>,
    %get3A_164 = vector.shape_cast %get3A_163 : vector<1x16xi32> to vector<16xi32>
    %shift_right_logical3A_165 = arith.constant 14 : i32
    %shift_right_logical3A_166 = vector.broadcast %shift_right_logical3A_165 : i32 to vector<16xi32>
    %shift_right_logical3A_167 = arith.shrui %get3A_164, %shift_right_logical3A_166 : vector<16xi32>
    %swap3A_168 = arith.constant 0 : i32
    %swap3A_169 = arith.index_cast %swap3A_168 : i32 to index
    %swap3A_170 = arith.constant 112 : index
    %swap3A_171 = tpu.vector_load %arg7[%swap3A_169, %swap3A_170] {strides = array<i32>} : memref<1x128xi32, #tpu.memory_space<vmem>>, vector<1x16xi32>,
    %swap3A_172 = vector.shape_cast %swap3A_171 : vector<1x16xi32> to vector<16xi32>
    %swap3A_173 = vector.shape_cast %shift_right_logical3A_167 : vector<16xi32> to vector<1x16xi32>
    tpu.vector_store %arg7[%swap3A_169, %swap3A_170], %swap3A_173 {strides = array<i32>} : memref<1x128xi32, #tpu.memory_space<vmem>>, vector<1x16xi32>,
    %and3A_174 = arith.constant 16383 : i32
    %and3A_175 = vector.broadcast %and3A_174 : i32 to vector<16xi32>
    %and3A_176 = arith.andi %get3A_164, %and3A_175 : vector<16xi32>
    %swap3A_177 = arith.constant 0 : i32
    %swap3A_178 = arith.index_cast %swap3A_177 : i32 to index
    %swap3A_179 = arith.constant 112 : index
    %swap3A_180 = tpu.vector_load %arg9[%swap3A_178, %swap3A_179] {strides = array<i32>} : memref<1x128xi32, #tpu.memory_space<vmem>>, vector<1x16xi32>,
    %swap3A_181 = vector.shape_cast %swap3A_180 : vector<1x16xi32> to vector<16xi32>
    %swap3A_182 = vector.shape_cast %and3A_176 : vector<16xi32> to vector<1x16xi32>
    tpu.vector_store %arg9[%swap3A_178, %swap3A_179], %swap3A_182 {strides = array<i32>} : memref<1x128xi32, #tpu.memory_space<vmem>>, vector<1x16xi32>,
    %dma_start3A = arith.constant 0 : i32
    %dma_start3A_183 = arith.constant 0 : i32
    %dma_start3A_184 = tpu.memref_slice %arg9[%dma_start3A, %dma_start3A_183] : memref<1x128xi32, #tpu.memory_space<vmem>> -> memref<1x128xi32, #tpu.memory_space<vmem>>
    %dma_start3A_185 = tpu.memref_squeeze %dma_start3A_184 : memref<1x128xi32, #tpu.memory_space<vmem>> -> memref<128xi32, #tpu.memory_space<vmem>>
    %dma_start3A_186 = arith.constant 0 : i32
    %dma_start3A_187 = arith.constant 0 : i32
    %dma_start3A_188 = tpu.memref_slice %arg2[%dma_start3A_186, %dma_start3A_187] : memref<10240x128xf32, #tpu.memory_space<hbm>> -> memref<10240x128xf32, #tpu.memory_space<hbm>>
    tpu.enqueue_indirect_dma source(%dma_start3A_188 : memref<10240x128xf32, #tpu.memory_space<hbm>>) target(%arg11 : memref<128x128xf32, #tpu.memory_space<vmem>>) offsets(%dma_start3A_185 : memref<128xi32, #tpu.memory_space<vmem>>) semaphore(%arg13 : memref<!tpu.dma_semaphore, #tpu.memory_space<semaphore_mem>>)
    %get3A_189 = arith.constant 1 : i32
    %get3A_190 = arith.index_cast %get3A_189 : i32 to index
    %get3A_191 = arith.constant 0 : index
    %get3A_192 = tpu.vector_load %arg6[%get3A_190, %get3A_191] {strides = array<i32>} : memref<80x128xi32, #tpu.memory_space<vmem>>, vector<1x16xi32>,
    %get3A_193 = vector.shape_cast %get3A_192 : vector<1x16xi32> to vector<16xi32>
    %shift_right_logical3A_194 = arith.constant 14 : i32
    %shift_right_logical3A_195 = vector.broadcast %shift_right_logical3A_194 : i32 to vector<16xi32>
    %shift_right_logical3A_196 = arith.shrui %get3A_193, %shift_right_logical3A_195 : vector<16xi32>
    %swap3A_197 = arith.constant 0 : i32
    %swap3A_198 = arith.index_cast %swap3A_197 : i32 to index
    %swap3A_199 = arith.constant 0 : index
    %swap3A_200 = tpu.vector_load %arg8[%swap3A_198, %swap3A_199] {strides = array<i32>} : memref<1x128xi32, #tpu.memory_space<vmem>>, vector<1x16xi32>,
    %swap3A_201 = vector.shape_cast %swap3A_200 : vector<1x16xi32> to vector<16xi32>
    %swap3A_202 = vector.shape_cast %shift_right_logical3A_196 : vector<16xi32> to vector<1x16xi32>
    tpu.vector_store %arg8[%swap3A_198, %swap3A_199], %swap3A_202 {strides = array<i32>} : memref<1x128xi32, #tpu.memory_space<vmem>>, vector<1x16xi32>,
    %and3A_203 = arith.constant 16383 : i32
    %and3A_204 = vector.broadcast %and3A_203 : i32 to vector<16xi32>
    %and3A_205 = arith.andi %get3A_193, %and3A_204 : vector<16xi32>
    %swap3A_206 = arith.constant 0 : i32
    %swap3A_207 = arith.index_cast %swap3A_206 : i32 to index
    %swap3A_208 = arith.constant 0 : index
    %swap3A_209 = tpu.vector_load %arg10[%swap3A_207, %swap3A_208] {strides = array<i32>} : memref<1x128xi32, #tpu.memory_space<vmem>>, vector<1x16xi32>,
    %swap3A_210 = vector.shape_cast %swap3A_209 : vector<1x16xi32> to vector<16xi32>
    %swap3A_211 = vector.shape_cast %and3A_205 : vector<16xi32> to vector<1x16xi32>
    tpu.vector_store %arg10[%swap3A_207, %swap3A_208], %swap3A_211 {strides = array<i32>} : memref<1x128xi32, #tpu.memory_space<vmem>>, vector<1x16xi32>,
    %get3A_212 = arith.constant 1 : i32
    %get3A_213 = arith.index_cast %get3A_212 : i32 to index
    %get3A_214 = arith.constant 16 : index
    %get3A_215 = tpu.vector_load %arg6[%get3A_213, %get3A_214] {strides = array<i32>} : memref<80x128xi32, #tpu.memory_space<vmem>>, vector<1x16xi32>,
    %get3A_216 = vector.shape_cast %get3A_215 : vector<1x16xi32> to vector<16xi32>
    %shift_right_logical3A_217 = arith.constant 14 : i32
    %shift_right_logical3A_218 = vector.broadcast %shift_right_logical3A_217 : i32 to vector<16xi32>
    %shift_right_logical3A_219 = arith.shrui %get3A_216, %shift_right_logical3A_218 : vector<16xi32>
    %swap3A_220 = arith.constant 0 : i32
    %swap3A_221 = arith.index_cast %swap3A_220 : i32 to index
    %swap3A_222 = arith.constant 16 : index
    %swap3A_223 = tpu.vector_load %arg8[%swap3A_221, %swap3A_222] {strides = array<i32>} : memref<1x128xi32, #tpu.memory_space<vmem>>, vector<1x16xi32>,
    %swap3A_224 = vector.shape_cast %swap3A_223 : vector<1x16xi32> to vector<16xi32>
    %swap3A_225 = vector.shape_cast %shift_right_logical3A_219 : vector<16xi32> to vector<1x16xi32>
    tpu.vector_store %arg8[%swap3A_221, %swap3A_222], %swap3A_225 {strides = array<i32>} : memref<1x128xi32, #tpu.memory_space<vmem>>, vector<1x16xi32>,
    %and3A_226 = arith.constant 16383 : i32
    %and3A_227 = vector.broadcast %and3A_226 : i32 to vector<16xi32>
    %and3A_228 = arith.andi %get3A_216, %and3A_227 : vector<16xi32>
    %swap3A_229 = arith.constant 0 : i32
    %swap3A_230 = arith.index_cast %swap3A_229 : i32 to index
    %swap3A_231 = arith.constant 16 : index
    %swap3A_232 = tpu.vector_load %arg10[%swap3A_230, %swap3A_231] {strides = array<i32>} : memref<1x128xi32, #tpu.memory_space<vmem>>, vector<1x16xi32>,
    %swap3A_233 = vector.shape_cast %swap3A_232 : vector<1x16xi32> to vector<16xi32>
    %swap3A_234 = vector.shape_cast %and3A_228 : vector<16xi32> to vector<1x16xi32>
    tpu.vector_store %arg10[%swap3A_230, %swap3A_231], %swap3A_234 {strides = array<i32>} : memref<1x128xi32, #tpu.memory_space<vmem>>, vector<1x16xi32>,
    %get3A_235 = arith.constant 1 : i32
    %get3A_236 = arith.index_cast %get3A_235 : i32 to index
    %get3A_237 = arith.constant 32 : index
    %get3A_238 = tpu.vector_load %arg6[%get3A_236, %get3A_237] {strides = array<i32>} : memref<80x128xi32, #tpu.memory_space<vmem>>, vector<1x16xi32>,
    %get3A_239 = vector.shape_cast %get3A_238 : vector<1x16xi32> to vector<16xi32>
    %shift_right_logical3A_240 = arith.constant 14 : i32
    %shift_right_logical3A_241 = vector.broadcast %shift_right_logical3A_240 : i32 to vector<16xi32>
    %shift_right_logical3A_242 = arith.shrui %get3A_239, %shift_right_logical3A_241 : vector<16xi32>
    %swap3A_243 = arith.constant 0 : i32
    %swap3A_244 = arith.index_cast %swap3A_243 : i32 to index
    %swap3A_245 = arith.constant 32 : index
    %swap3A_246 = tpu.vector_load %arg8[%swap3A_244, %swap3A_245] {strides = array<i32>} : memref<1x128xi32, #tpu.memory_space<vmem>>, vector<1x16xi32>,
    %swap3A_247 = vector.shape_cast %swap3A_246 : vector<1x16xi32> to vector<16xi32>
    %swap3A_248 = vector.shape_cast %shift_right_logical3A_242 : vector<16xi32> to vector<1x16xi32>
    tpu.vector_store %arg8[%swap3A_244, %swap3A_245], %swap3A_248 {strides = array<i32>} : memref<1x128xi32, #tpu.memory_space<vmem>>, vector<1x16xi32>,
    %and3A_249 = arith.constant 16383 : i32
    %and3A_250 = vector.broadcast %and3A_249 : i32 to vector<16xi32>
    %and3A_251 = arith.andi %get3A_239, %and3A_250 : vector<16xi32>
    %swap3A_252 = arith.constant 0 : i32
    %swap3A_253 = arith.index_cast %swap3A_252 : i32 to index
    %swap3A_254 = arith.constant 32 : index
    %swap3A_255 = tpu.vector_load %arg10[%swap3A_253, %swap3A_254] {strides = array<i32>} : memref<1x128xi32, #tpu.memory_space<vmem>>, vector<1x16xi32>,
    %swap3A_256 = vector.shape_cast %swap3A_255 : vector<1x16xi32> to vector<16xi32>
    %swap3A_257 = vector.shape_cast %and3A_251 : vector<16xi32> to vector<1x16xi32>
    tpu.vector_store %arg10[%swap3A_253, %swap3A_254], %swap3A_257 {strides = array<i32>} : memref<1x128xi32, #tpu.memory_space<vmem>>, vector<1x16xi32>,
    %get3A_258 = arith.constant 1 : i32
    %get3A_259 = arith.index_cast %get3A_258 : i32 to index
    %get3A_260 = arith.constant 48 : index
    %get3A_261 = tpu.vector_load %arg6[%get3A_259, %get3A_260] {strides = array<i32>} : memref<80x128xi32, #tpu.memory_space<vmem>>, vector<1x16xi32>,
    %get3A_262 = vector.shape_cast %get3A_261 : vector<1x16xi32> to vector<16xi32>
    %shift_right_logical3A_263 = arith.constant 14 : i32
    %shift_right_logical3A_264 = vector.broadcast %shift_right_logical3A_263 : i32 to vector<16xi32>
    %shift_right_logical3A_265 = arith.shrui %get3A_262, %shift_right_logical3A_264 : vector<16xi32>
    %swap3A_266 = arith.constant 0 : i32
    %swap3A_267 = arith.index_cast %swap3A_266 : i32 to index
    %swap3A_268 = arith.constant 48 : index
    %swap3A_269 = tpu.vector_load %arg8[%swap3A_267, %swap3A_268] {strides = array<i32>} : memref<1x128xi32, #tpu.memory_space<vmem>>, vector<1x16xi32>,
    %swap3A_270 = vector.shape_cast %swap3A_269 : vector<1x16xi32> to vector<16xi32>
    %swap3A_271 = vector.shape_cast %shift_right_logical3A_265 : vector<16xi32> to vector<1x16xi32>
    tpu.vector_store %arg8[%swap3A_267, %swap3A_268], %swap3A_271 {strides = array<i32>} : memref<1x128xi32, #tpu.memory_space<vmem>>, vector<1x16xi32>,
    %and3A_272 = arith.constant 16383 : i32
    %and3A_273 = vector.broadcast %and3A_272 : i32 to vector<16xi32>
    %and3A_274 = arith.andi %get3A_262, %and3A_273 : vector<16xi32>
    %swap3A_275 = arith.constant 0 : i32
    %swap3A_276 = arith.index_cast %swap3A_275 : i32 to index
    %swap3A_277 = arith.constant 48 : index
    %swap3A_278 = tpu.vector_load %arg10[%swap3A_276, %swap3A_277] {strides = array<i32>} : memref<1x128xi32, #tpu.memory_space<vmem>>, vector<1x16xi32>,
    %swap3A_279 = vector.shape_cast %swap3A_278 : vector<1x16xi32> to vector<16xi32>
    %swap3A_280 = vector.shape_cast %and3A_274 : vector<16xi32> to vector<1x16xi32>
    tpu.vector_store %arg10[%swap3A_276, %swap3A_277], %swap3A_280 {strides = array<i32>} : memref<1x128xi32, #tpu.memory_space<vmem>>, vector<1x16xi32>,
    %get3A_281 = arith.constant 1 : i32
    %get3A_282 = arith.index_cast %get3A_281 : i32 to index
    %get3A_283 = arith.constant 64 : index
    %get3A_284 = tpu.vector_load %arg6[%get3A_282, %get3A_283] {strides = array<i32>} : memref<80x128xi32, #tpu.memory_space<vmem>>, vector<1x16xi32>,
    %get3A_285 = vector.shape_cast %get3A_284 : vector<1x16xi32> to vector<16xi32>
    %shift_right_logical3A_286 = arith.constant 14 : i32
    %shift_right_logical3A_287 = vector.broadcast %shift_right_logical3A_286 : i32 to vector<16xi32>
    %shift_right_logical3A_288 = arith.shrui %get3A_285, %shift_right_logical3A_287 : vector<16xi32>
    %swap3A_289 = arith.constant 0 : i32
    %swap3A_290 = arith.index_cast %swap3A_289 : i32 to index
    %swap3A_291 = arith.constant 64 : index
    %swap3A_292 = tpu.vector_load %arg8[%swap3A_290, %swap3A_291] {strides = array<i32>} : memref<1x128xi32, #tpu.memory_space<vmem>>, vector<1x16xi32>,
    %swap3A_293 = vector.shape_cast %swap3A_292 : vector<1x16xi32> to vector<16xi32>
    %swap3A_294 = vector.shape_cast %shift_right_logical3A_288 : vector<16xi32> to vector<1x16xi32>
    tpu.vector_store %arg8[%swap3A_290, %swap3A_291], %swap3A_294 {strides = array<i32>} : memref<1x128xi32, #tpu.memory_space<vmem>>, vector<1x16xi32>,
    %and3A_295 = arith.constant 16383 : i32
    %and3A_296 = vector.broadcast %and3A_295 : i32 to vector<16xi32>
    %and3A_297 = arith.andi %get3A_285, %and3A_296 : vector<16xi32>
    %swap3A_298 = arith.constant 0 : i32
    %swap3A_299 = arith.index_cast %swap3A_298 : i32 to index
    %swap3A_300 = arith.constant 64 : index
    %swap3A_301 = tpu.vector_load %arg10[%swap3A_299, %swap3A_300] {strides = array<i32>} : memref<1x128xi32, #tpu.memory_space<vmem>>, vector<1x16xi32>,
    %swap3A_302 = vector.shape_cast %swap3A_301 : vector<1x16xi32> to vector<16xi32>
    %swap3A_303 = vector.shape_cast %and3A_297 : vector<16xi32> to vector<1x16xi32>
    tpu.vector_store %arg10[%swap3A_299, %swap3A_300], %swap3A_303 {strides = array<i32>} : memref<1x128xi32, #tpu.memory_space<vmem>>, vector<1x16xi32>,
    %get3A_304 = arith.constant 1 : i32
    %get3A_305 = arith.index_cast %get3A_304 : i32 to index
    %get3A_306 = arith.constant 80 : index
    %get3A_307 = tpu.vector_load %arg6[%get3A_305, %get3A_306] {strides = array<i32>} : memref<80x128xi32, #tpu.memory_space<vmem>>, vector<1x16xi32>,
    %get3A_308 = vector.shape_cast %get3A_307 : vector<1x16xi32> to vector<16xi32>
    %shift_right_logical3A_309 = arith.constant 14 : i32
    %shift_right_logical3A_310 = vector.broadcast %shift_right_logical3A_309 : i32 to vector<16xi32>
    %shift_right_logical3A_311 = arith.shrui %get3A_308, %shift_right_logical3A_310 : vector<16xi32>
    %swap3A_312 = arith.constant 0 : i32
    %swap3A_313 = arith.index_cast %swap3A_312 : i32 to index
    %swap3A_314 = arith.constant 80 : index
    %swap3A_315 = tpu.vector_load %arg8[%swap3A_313, %swap3A_314] {strides = array<i32>} : memref<1x128xi32, #tpu.memory_space<vmem>>, vector<1x16xi32>,
    %swap3A_316 = vector.shape_cast %swap3A_315 : vector<1x16xi32> to vector<16xi32>
    %swap3A_317 = vector.shape_cast %shift_right_logical3A_311 : vector<16xi32> to vector<1x16xi32>
    tpu.vector_store %arg8[%swap3A_313, %swap3A_314], %swap3A_317 {strides = array<i32>} : memref<1x128xi32, #tpu.memory_space<vmem>>, vector<1x16xi32>,
    %and3A_318 = arith.constant 16383 : i32
    %and3A_319 = vector.broadcast %and3A_318 : i32 to vector<16xi32>
    %and3A_320 = arith.andi %get3A_308, %and3A_319 : vector<16xi32>
    %swap3A_321 = arith.constant 0 : i32
    %swap3A_322 = arith.index_cast %swap3A_321 : i32 to index
    %swap3A_323 = arith.constant 80 : index
    %swap3A_324 = tpu.vector_load %arg10[%swap3A_322, %swap3A_323] {strides = array<i32>} : memref<1x128xi32, #tpu.memory_space<vmem>>, vector<1x16xi32>,
    %swap3A_325 = vector.shape_cast %swap3A_324 : vector<1x16xi32> to vector<16xi32>
    %swap3A_326 = vector.shape_cast %and3A_320 : vector<16xi32> to vector<1x16xi32>
    tpu.vector_store %arg10[%swap3A_322, %swap3A_323], %swap3A_326 {strides = array<i32>} : memref<1x128xi32, #tpu.memory_space<vmem>>, vector<1x16xi32>,
    %get3A_327 = arith.constant 1 : i32
    %get3A_328 = arith.index_cast %get3A_327 : i32 to index
    %get3A_329 = arith.constant 96 : index
    %get3A_330 = tpu.vector_load %arg6[%get3A_328, %get3A_329] {strides = array<i32>} : memref<80x128xi32, #tpu.memory_space<vmem>>, vector<1x16xi32>,
    %get3A_331 = vector.shape_cast %get3A_330 : vector<1x16xi32> to vector<16xi32>
    %shift_right_logical3A_332 = arith.constant 14 : i32
    %shift_right_logical3A_333 = vector.broadcast %shift_right_logical3A_332 : i32 to vector<16xi32>
    %shift_right_logical3A_334 = arith.shrui %get3A_331, %shift_right_logical3A_333 : vector<16xi32>
    %swap3A_335 = arith.constant 0 : i32
    %swap3A_336 = arith.index_cast %swap3A_335 : i32 to index
    %swap3A_337 = arith.constant 96 : index
    %swap3A_338 = tpu.vector_load %arg8[%swap3A_336, %swap3A_337] {strides = array<i32>} : memref<1x128xi32, #tpu.memory_space<vmem>>, vector<1x16xi32>,
    %swap3A_339 = vector.shape_cast %swap3A_338 : vector<1x16xi32> to vector<16xi32>
    %swap3A_340 = vector.shape_cast %shift_right_logical3A_334 : vector<16xi32> to vector<1x16xi32>
    tpu.vector_store %arg8[%swap3A_336, %swap3A_337], %swap3A_340 {strides = array<i32>} : memref<1x128xi32, #tpu.memory_space<vmem>>, vector<1x16xi32>,
    %and3A_341 = arith.constant 16383 : i32
    %and3A_342 = vector.broadcast %and3A_341 : i32 to vector<16xi32>
    %and3A_343 = arith.andi %get3A_331, %and3A_342 : vector<16xi32>
    %swap3A_344 = arith.constant 0 : i32
    %swap3A_345 = arith.index_cast %swap3A_344 : i32 to index
    %swap3A_346 = arith.constant 96 : index
    %swap3A_347 = tpu.vector_load %arg10[%swap3A_345, %swap3A_346] {strides = array<i32>} : memref<1x128xi32, #tpu.memory_space<vmem>>, vector<1x16xi32>,
    %swap3A_348 = vector.shape_cast %swap3A_347 : vector<1x16xi32> to vector<16xi32>
    %swap3A_349 = vector.shape_cast %and3A_343 : vector<16xi32> to vector<1x16xi32>
    tpu.vector_store %arg10[%swap3A_345, %swap3A_346], %swap3A_349 {strides = array<i32>} : memref<1x128xi32, #tpu.memory_space<vmem>>, vector<1x16xi32>,
    %get3A_350 = arith.constant 1 : i32
    %get3A_351 = arith.index_cast %get3A_350 : i32 to index
    %get3A_352 = arith.constant 112 : index
    %get3A_353 = tpu.vector_load %arg6[%get3A_351, %get3A_352] {strides = array<i32>} : memref<80x128xi32, #tpu.memory_space<vmem>>, vector<1x16xi32>,
    %get3A_354 = vector.shape_cast %get3A_353 : vector<1x16xi32> to vector<16xi32>
    %shift_right_logical3A_355 = arith.constant 14 : i32
    %shift_right_logical3A_356 = vector.broadcast %shift_right_logical3A_355 : i32 to vector<16xi32>
    %shift_right_logical3A_357 = arith.shrui %get3A_354, %shift_right_logical3A_356 : vector<16xi32>
    %swap3A_358 = arith.constant 0 : i32
    %swap3A_359 = arith.index_cast %swap3A_358 : i32 to index
    %swap3A_360 = arith.constant 112 : index
    %swap3A_361 = tpu.vector_load %arg8[%swap3A_359, %swap3A_360] {strides = array<i32>} : memref<1x128xi32, #tpu.memory_space<vmem>>, vector<1x16xi32>,
    %swap3A_362 = vector.shape_cast %swap3A_361 : vector<1x16xi32> to vector<16xi32>
    %swap3A_363 = vector.shape_cast %shift_right_logical3A_357 : vector<16xi32> to vector<1x16xi32>
    tpu.vector_store %arg8[%swap3A_359, %swap3A_360], %swap3A_363 {strides = array<i32>} : memref<1x128xi32, #tpu.memory_space<vmem>>, vector<1x16xi32>,
    %and3A_364 = arith.constant 16383 : i32
    %and3A_365 = vector.broadcast %and3A_364 : i32 to vector<16xi32>
    %and3A_366 = arith.andi %get3A_354, %and3A_365 : vector<16xi32>
    %swap3A_367 = arith.constant 0 : i32
    %swap3A_368 = arith.index_cast %swap3A_367 : i32 to index
    %swap3A_369 = arith.constant 112 : index
    %swap3A_370 = tpu.vector_load %arg10[%swap3A_368, %swap3A_369] {strides = array<i32>} : memref<1x128xi32, #tpu.memory_space<vmem>>, vector<1x16xi32>,
    %swap3A_371 = vector.shape_cast %swap3A_370 : vector<1x16xi32> to vector<16xi32>
    %swap3A_372 = vector.shape_cast %and3A_366 : vector<16xi32> to vector<1x16xi32>
    tpu.vector_store %arg10[%swap3A_368, %swap3A_369], %swap3A_372 {strides = array<i32>} : memref<1x128xi32, #tpu.memory_space<vmem>>, vector<1x16xi32>,
    %dma_start3A_373 = arith.constant 0 : i32
    %dma_start3A_374 = arith.constant 0 : i32
    %dma_start3A_375 = tpu.memref_slice %arg10[%dma_start3A_373, %dma_start3A_374] : memref<1x128xi32, #tpu.memory_space<vmem>> -> memref<1x128xi32, #tpu.memory_space<vmem>>
    %dma_start3A_376 = tpu.memref_squeeze %dma_start3A_375 : memref<1x128xi32, #tpu.memory_space<vmem>> -> memref<128xi32, #tpu.memory_space<vmem>>
    %dma_start3A_377 = arith.constant 0 : i32
    %dma_start3A_378 = arith.constant 0 : i32
    %dma_start3A_379 = tpu.memref_slice %arg2[%dma_start3A_377, %dma_start3A_378] : memref<10240x128xf32, #tpu.memory_space<hbm>> -> memref<10240x128xf32, #tpu.memory_space<hbm>>
    tpu.enqueue_indirect_dma source(%dma_start3A_379 : memref<10240x128xf32, #tpu.memory_space<hbm>>) target(%arg12 : memref<128x128xf32, #tpu.memory_space<vmem>>) offsets(%dma_start3A_376 : memref<128xi32, #tpu.memory_space<vmem>>) semaphore(%arg14 : memref<!tpu.dma_semaphore, #tpu.memory_space<semaphore_mem>>)
    %scan3A = arith.constant 0 : i32
    %scan3A_380 = arith.constant 0 : i32
    %scan3A_381 = arith.constant 39 : i32
    %scan3A_382 = arith.addi %scan3A_380, %scan3A_381 : i32
    %scan3A_383 = arith.constant 1 : i32
    scf.for %scan3A_404 = %scan3A_380 to %scan3A_382 step %scan3A_383  : i32 {
      %mul3A_405 = arith.constant 2 : i32
      %mul3A_406 = arith.muli %scan3A_404, %mul3A_405 : i32
      %dma_wait3A_407 = arith.constant 0 : i32
      %dma_wait3A_408 = arith.constant 0 : i32
      %dma_wait3A_409 = tpu.memref_slice %arg9[%dma_wait3A_407, %dma_wait3A_408] : memref<1x128xi32, #tpu.memory_space<vmem>> -> memref<1x128xi32, #tpu.memory_space<vmem>>
      %dma_wait3A_410 = tpu.memref_squeeze %dma_wait3A_409 : memref<1x128xi32, #tpu.memory_space<vmem>> -> memref<128xi32, #tpu.memory_space<vmem>>
      %dma_wait3A_411 = arith.constant 0 : i32
      %dma_wait3A_412 = arith.constant 0 : i32
      %dma_wait3A_413 = tpu.memref_slice %arg2[%dma_wait3A_411, %dma_wait3A_412] : memref<10240x128xf32, #tpu.memory_space<hbm>> -> memref<10240x128xf32, #tpu.memory_space<hbm>>
      tpu.wait_indirect_dma semaphore(%arg13 : memref<!tpu.dma_semaphore, #tpu.memory_space<semaphore_mem>>) src(%dma_wait3A_413 : memref<10240x128xf32, #tpu.memory_space<hbm>>) dst(%arg11 : memref<128x128xf32, #tpu.memory_space<vmem>>)
      %run_scoped3A_414 = arith.constant 0 : i32
      "tpu.region"() ({
        %run_scoped3A_797 = tpu.sem_alloc : memref<!tpu.dma_semaphore, #tpu.memory_space<semaphore_mem>>
        %dma_start3A_798 = arith.constant 0 : i32
        %dma_start3A_799 = tpu.memref_slice %arg7[%run_scoped3A_414, %dma_start3A_798] : memref<1x128xi32, #tpu.memory_space<vmem>> -> memref<1x128xi32, #tpu.memory_space<vmem>>
        %dma_start3A_800 = tpu.memref_squeeze %dma_start3A_799 : memref<1x128xi32, #tpu.memory_space<vmem>> -> memref<128xi32, #tpu.memory_space<vmem>>
        %dma_start3A_801 = arith.constant 0 : i32
        %dma_start3A_802 = arith.constant 0 : i32
        %dma_start3A_803 = tpu.memref_slice %arg15[%dma_start3A_801, %dma_start3A_802] : memref<10240x128xf32, #tpu.memory_space<vmem_shared>> -> memref<10240x128xf32, #tpu.memory_space<vmem_shared>>
        tpu.enqueue_indirect_dma source(%arg11 : memref<128x128xf32, #tpu.memory_space<vmem>>) target(%dma_start3A_803 : memref<10240x128xf32, #tpu.memory_space<vmem_shared>>) offsets(%dma_start3A_800 : memref<128xi32, #tpu.memory_space<vmem>>) semaphore(%run_scoped3A_797 : memref<!tpu.dma_semaphore, #tpu.memory_space<semaphore_mem>>) {add = true}
        %dma_wait3A_804 = arith.constant 0 : i32
        %dma_wait3A_805 = tpu.memref_slice %arg7[%run_scoped3A_414, %dma_wait3A_804] : memref<1x128xi32, #tpu.memory_space<vmem>> -> memref<1x128xi32, #tpu.memory_space<vmem>>
        %dma_wait3A_806 = tpu.memref_squeeze %dma_wait3A_805 : memref<1x128xi32, #tpu.memory_space<vmem>> -> memref<128xi32, #tpu.memory_space<vmem>>
        %dma_wait3A_807 = arith.constant 0 : i32
        %dma_wait3A_808 = arith.constant 0 : i32
        %dma_wait3A_809 = tpu.memref_slice %arg15[%dma_wait3A_807, %dma_wait3A_808] : memref<10240x128xf32, #tpu.memory_space<vmem_shared>> -> memref<10240x128xf32, #tpu.memory_space<vmem_shared>>
        tpu.wait_indirect_dma semaphore(%run_scoped3A_797 : memref<!tpu.dma_semaphore, #tpu.memory_space<semaphore_mem>>) src(%arg11 : memref<128x128xf32, #tpu.memory_space<vmem>>) dst(%dma_wait3A_809 : memref<10240x128xf32, #tpu.memory_space<vmem_shared>>)
        tpu.yield
      }) : () -> ()
      %add3A_415 = arith.constant 0 : i32
      %add3A_416 = arith.addi %mul3A_406, %add3A_415 : i32
      %add3A_417 = arith.constant 2 : i32
      %add3A_418 = arith.addi %add3A_416, %add3A_417 : i32
      %get3A_419 = arith.index_cast %add3A_418 : i32 to index
      %get3A_420 = arith.constant 0 : index
      %get3A_421 = tpu.vector_load %arg6[%get3A_419, %get3A_420] {strides = array<i32>} : memref<80x128xi32, #tpu.memory_space<vmem>>, vector<1x16xi32>,
      %get3A_422 = vector.shape_cast %get3A_421 : vector<1x16xi32> to vector<16xi32>
      %shift_right_logical3A_423 = arith.constant 14 : i32
      %shift_right_logical3A_424 = vector.broadcast %shift_right_logical3A_423 : i32 to vector<16xi32>
      %shift_right_logical3A_425 = arith.shrui %get3A_422, %shift_right_logical3A_424 : vector<16xi32>
      %swap3A_426 = arith.constant 0 : i32
      %swap3A_427 = arith.index_cast %swap3A_426 : i32 to index
      %swap3A_428 = arith.constant 0 : index
      %swap3A_429 = tpu.vector_load %arg7[%swap3A_427, %swap3A_428] {strides = array<i32>} : memref<1x128xi32, #tpu.memory_space<vmem>>, vector<1x16xi32>,
      %swap3A_430 = vector.shape_cast %swap3A_429 : vector<1x16xi32> to vector<16xi32>
      %swap3A_431 = vector.shape_cast %shift_right_logical3A_425 : vector<16xi32> to vector<1x16xi32>
      tpu.vector_store %arg7[%swap3A_427, %swap3A_428], %swap3A_431 {strides = array<i32>} : memref<1x128xi32, #tpu.memory_space<vmem>>, vector<1x16xi32>,
      %and3A_432 = arith.constant 16383 : i32
      %and3A_433 = vector.broadcast %and3A_432 : i32 to vector<16xi32>
      %and3A_434 = arith.andi %get3A_422, %and3A_433 : vector<16xi32>
      %swap3A_435 = arith.constant 0 : i32
      %swap3A_436 = arith.index_cast %swap3A_435 : i32 to index
      %swap3A_437 = arith.constant 0 : index
      %swap3A_438 = tpu.vector_load %arg9[%swap3A_436, %swap3A_437] {strides = array<i32>} : memref<1x128xi32, #tpu.memory_space<vmem>>, vector<1x16xi32>,
      %swap3A_439 = vector.shape_cast %swap3A_438 : vector<1x16xi32> to vector<16xi32>
      %swap3A_440 = vector.shape_cast %and3A_434 : vector<16xi32> to vector<1x16xi32>
      tpu.vector_store %arg9[%swap3A_436, %swap3A_437], %swap3A_440 {strides = array<i32>} : memref<1x128xi32, #tpu.memory_space<vmem>>, vector<1x16xi32>,
      %get3A_441 = arith.index_cast %add3A_418 : i32 to index
      %get3A_442 = arith.constant 16 : index
      %get3A_443 = tpu.vector_load %arg6[%get3A_441, %get3A_442] {strides = array<i32>} : memref<80x128xi32, #tpu.memory_space<vmem>>, vector<1x16xi32>,
      %get3A_444 = vector.shape_cast %get3A_443 : vector<1x16xi32> to vector<16xi32>
      %shift_right_logical3A_445 = arith.constant 14 : i32
      %shift_right_logical3A_446 = vector.broadcast %shift_right_logical3A_445 : i32 to vector<16xi32>
      %shift_right_logical3A_447 = arith.shrui %get3A_444, %shift_right_logical3A_446 : vector<16xi32>
      %swap3A_448 = arith.constant 0 : i32
      %swap3A_449 = arith.index_cast %swap3A_448 : i32 to index
      %swap3A_450 = arith.constant 16 : index
      %swap3A_451 = tpu.vector_load %arg7[%swap3A_449, %swap3A_450] {strides = array<i32>} : memref<1x128xi32, #tpu.memory_space<vmem>>, vector<1x16xi32>,
      %swap3A_452 = vector.shape_cast %swap3A_451 : vector<1x16xi32> to vector<16xi32>
      %swap3A_453 = vector.shape_cast %shift_right_logical3A_447 : vector<16xi32> to vector<1x16xi32>
      tpu.vector_store %arg7[%swap3A_449, %swap3A_450], %swap3A_453 {strides = array<i32>} : memref<1x128xi32, #tpu.memory_space<vmem>>, vector<1x16xi32>,
      %and3A_454 = arith.constant 16383 : i32
      %and3A_455 = vector.broadcast %and3A_454 : i32 to vector<16xi32>
      %and3A_456 = arith.andi %get3A_444, %and3A_455 : vector<16xi32>
      %swap3A_457 = arith.constant 0 : i32
      %swap3A_458 = arith.index_cast %swap3A_457 : i32 to index
      %swap3A_459 = arith.constant 16 : index
      %swap3A_460 = tpu.vector_load %arg9[%swap3A_458, %swap3A_459] {strides = array<i32>} : memref<1x128xi32, #tpu.memory_space<vmem>>, vector<1x16xi32>,
      %swap3A_461 = vector.shape_cast %swap3A_460 : vector<1x16xi32> to vector<16xi32>
      %swap3A_462 = vector.shape_cast %and3A_456 : vector<16xi32> to vector<1x16xi32>
      tpu.vector_store %arg9[%swap3A_458, %swap3A_459], %swap3A_462 {strides = array<i32>} : memref<1x128xi32, #tpu.memory_space<vmem>>, vector<1x16xi32>,
      %get3A_463 = arith.index_cast %add3A_418 : i32 to index
      %get3A_464 = arith.constant 32 : index
      %get3A_465 = tpu.vector_load %arg6[%get3A_463, %get3A_464] {strides = array<i32>} : memref<80x128xi32, #tpu.memory_space<vmem>>, vector<1x16xi32>,
      %get3A_466 = vector.shape_cast %get3A_465 : vector<1x16xi32> to vector<16xi32>
      %shift_right_logical3A_467 = arith.constant 14 : i32
      %shift_right_logical3A_468 = vector.broadcast %shift_right_logical3A_467 : i32 to vector<16xi32>
      %shift_right_logical3A_469 = arith.shrui %get3A_466, %shift_right_logical3A_468 : vector<16xi32>
      %swap3A_470 = arith.constant 0 : i32
      %swap3A_471 = arith.index_cast %swap3A_470 : i32 to index
      %swap3A_472 = arith.constant 32 : index
      %swap3A_473 = tpu.vector_load %arg7[%swap3A_471, %swap3A_472] {strides = array<i32>} : memref<1x128xi32, #tpu.memory_space<vmem>>, vector<1x16xi32>,
      %swap3A_474 = vector.shape_cast %swap3A_473 : vector<1x16xi32> to vector<16xi32>
      %swap3A_475 = vector.shape_cast %shift_right_logical3A_469 : vector<16xi32> to vector<1x16xi32>
      tpu.vector_store %arg7[%swap3A_471, %swap3A_472], %swap3A_475 {strides = array<i32>} : memref<1x128xi32, #tpu.memory_space<vmem>>, vector<1x16xi32>,
      %and3A_476 = arith.constant 16383 : i32
      %and3A_477 = vector.broadcast %and3A_476 : i32 to vector<16xi32>
      %and3A_478 = arith.andi %get3A_466, %and3A_477 : vector<16xi32>
      %swap3A_479 = arith.constant 0 : i32
      %swap3A_480 = arith.index_cast %swap3A_479 : i32 to index
      %swap3A_481 = arith.constant 32 : index
      %swap3A_482 = tpu.vector_load %arg9[%swap3A_480, %swap3A_481] {strides = array<i32>} : memref<1x128xi32, #tpu.memory_space<vmem>>, vector<1x16xi32>,
      %swap3A_483 = vector.shape_cast %swap3A_482 : vector<1x16xi32> to vector<16xi32>
      %swap3A_484 = vector.shape_cast %and3A_478 : vector<16xi32> to vector<1x16xi32>
      tpu.vector_store %arg9[%swap3A_480, %swap3A_481], %swap3A_484 {strides = array<i32>} : memref<1x128xi32, #tpu.memory_space<vmem>>, vector<1x16xi32>,
      %get3A_485 = arith.index_cast %add3A_418 : i32 to index
      %get3A_486 = arith.constant 48 : index
      %get3A_487 = tpu.vector_load %arg6[%get3A_485, %get3A_486] {strides = array<i32>} : memref<80x128xi32, #tpu.memory_space<vmem>>, vector<1x16xi32>,
      %get3A_488 = vector.shape_cast %get3A_487 : vector<1x16xi32> to vector<16xi32>
      %shift_right_logical3A_489 = arith.constant 14 : i32
      %shift_right_logical3A_490 = vector.broadcast %shift_right_logical3A_489 : i32 to vector<16xi32>
      %shift_right_logical3A_491 = arith.shrui %get3A_488, %shift_right_logical3A_490 : vector<16xi32>
      %swap3A_492 = arith.constant 0 : i32
      %swap3A_493 = arith.index_cast %swap3A_492 : i32 to index
      %swap3A_494 = arith.constant 48 : index
      %swap3A_495 = tpu.vector_load %arg7[%swap3A_493, %swap3A_494] {strides = array<i32>} : memref<1x128xi32, #tpu.memory_space<vmem>>, vector<1x16xi32>,
      %swap3A_496 = vector.shape_cast %swap3A_495 : vector<1x16xi32> to vector<16xi32>
      %swap3A_497 = vector.shape_cast %shift_right_logical3A_491 : vector<16xi32> to vector<1x16xi32>
      tpu.vector_store %arg7[%swap3A_493, %swap3A_494], %swap3A_497 {strides = array<i32>} : memref<1x128xi32, #tpu.memory_space<vmem>>, vector<1x16xi32>,
      %and3A_498 = arith.constant 16383 : i32
      %and3A_499 = vector.broadcast %and3A_498 : i32 to vector<16xi32>
      %and3A_500 = arith.andi %get3A_488, %and3A_499 : vector<16xi32>
      %swap3A_501 = arith.constant 0 : i32
      %swap3A_502 = arith.index_cast %swap3A_501 : i32 to index
      %swap3A_503 = arith.constant 48 : index
      %swap3A_504 = tpu.vector_load %arg9[%swap3A_502, %swap3A_503] {strides = array<i32>} : memref<1x128xi32, #tpu.memory_space<vmem>>, vector<1x16xi32>,
      %swap3A_505 = vector.shape_cast %swap3A_504 : vector<1x16xi32> to vector<16xi32>
      %swap3A_506 = vector.shape_cast %and3A_500 : vector<16xi32> to vector<1x16xi32>
      tpu.vector_store %arg9[%swap3A_502, %swap3A_503], %swap3A_506 {strides = array<i32>} : memref<1x128xi32, #tpu.memory_space<vmem>>, vector<1x16xi32>,
      %get3A_507 = arith.index_cast %add3A_418 : i32 to index
      %get3A_508 = arith.constant 64 : index
      %get3A_509 = tpu.vector_load %arg6[%get3A_507, %get3A_508] {strides = array<i32>} : memref<80x128xi32, #tpu.memory_space<vmem>>, vector<1x16xi32>,
      %get3A_510 = vector.shape_cast %get3A_509 : vector<1x16xi32> to vector<16xi32>
      %shift_right_logical3A_511 = arith.constant 14 : i32
      %shift_right_logical3A_512 = vector.broadcast %shift_right_logical3A_511 : i32 to vector<16xi32>
      %shift_right_logical3A_513 = arith.shrui %get3A_510, %shift_right_logical3A_512 : vector<16xi32>
      %swap3A_514 = arith.constant 0 : i32
      %swap3A_515 = arith.index_cast %swap3A_514 : i32 to index
      %swap3A_516 = arith.constant 64 : index
      %swap3A_517 = tpu.vector_load %arg7[%swap3A_515, %swap3A_516] {strides = array<i32>} : memref<1x128xi32, #tpu.memory_space<vmem>>, vector<1x16xi32>,
      %swap3A_518 = vector.shape_cast %swap3A_517 : vector<1x16xi32> to vector<16xi32>
      %swap3A_519 = vector.shape_cast %shift_right_logical3A_513 : vector<16xi32> to vector<1x16xi32>
      tpu.vector_store %arg7[%swap3A_515, %swap3A_516], %swap3A_519 {strides = array<i32>} : memref<1x128xi32, #tpu.memory_space<vmem>>, vector<1x16xi32>,
      %and3A_520 = arith.constant 16383 : i32
      %and3A_521 = vector.broadcast %and3A_520 : i32 to vector<16xi32>
      %and3A_522 = arith.andi %get3A_510, %and3A_521 : vector<16xi32>
      %swap3A_523 = arith.constant 0 : i32
      %swap3A_524 = arith.index_cast %swap3A_523 : i32 to index
      %swap3A_525 = arith.constant 64 : index
      %swap3A_526 = tpu.vector_load %arg9[%swap3A_524, %swap3A_525] {strides = array<i32>} : memref<1x128xi32, #tpu.memory_space<vmem>>, vector<1x16xi32>,
      %swap3A_527 = vector.shape_cast %swap3A_526 : vector<1x16xi32> to vector<16xi32>
      %swap3A_528 = vector.shape_cast %and3A_522 : vector<16xi32> to vector<1x16xi32>
      tpu.vector_store %arg9[%swap3A_524, %swap3A_525], %swap3A_528 {strides = array<i32>} : memref<1x128xi32, #tpu.memory_space<vmem>>, vector<1x16xi32>,
      %get3A_529 = arith.index_cast %add3A_418 : i32 to index
      %get3A_530 = arith.constant 80 : index
      %get3A_531 = tpu.vector_load %arg6[%get3A_529, %get3A_530] {strides = array<i32>} : memref<80x128xi32, #tpu.memory_space<vmem>>, vector<1x16xi32>,
      %get3A_532 = vector.shape_cast %get3A_531 : vector<1x16xi32> to vector<16xi32>
      %shift_right_logical3A_533 = arith.constant 14 : i32
      %shift_right_logical3A_534 = vector.broadcast %shift_right_logical3A_533 : i32 to vector<16xi32>
      %shift_right_logical3A_535 = arith.shrui %get3A_532, %shift_right_logical3A_534 : vector<16xi32>
      %swap3A_536 = arith.constant 0 : i32
      %swap3A_537 = arith.index_cast %swap3A_536 : i32 to index
      %swap3A_538 = arith.constant 80 : index
      %swap3A_539 = tpu.vector_load %arg7[%swap3A_537, %swap3A_538] {strides = array<i32>} : memref<1x128xi32, #tpu.memory_space<vmem>>, vector<1x16xi32>,
      %swap3A_540 = vector.shape_cast %swap3A_539 : vector<1x16xi32> to vector<16xi32>
      %swap3A_541 = vector.shape_cast %shift_right_logical3A_535 : vector<16xi32> to vector<1x16xi32>
      tpu.vector_store %arg7[%swap3A_537, %swap3A_538], %swap3A_541 {strides = array<i32>} : memref<1x128xi32, #tpu.memory_space<vmem>>, vector<1x16xi32>,
      %and3A_542 = arith.constant 16383 : i32
      %and3A_543 = vector.broadcast %and3A_542 : i32 to vector<16xi32>
      %and3A_544 = arith.andi %get3A_532, %and3A_543 : vector<16xi32>
      %swap3A_545 = arith.constant 0 : i32
      %swap3A_546 = arith.index_cast %swap3A_545 : i32 to index
      %swap3A_547 = arith.constant 80 : index
      %swap3A_548 = tpu.vector_load %arg9[%swap3A_546, %swap3A_547] {strides = array<i32>} : memref<1x128xi32, #tpu.memory_space<vmem>>, vector<1x16xi32>,
      %swap3A_549 = vector.shape_cast %swap3A_548 : vector<1x16xi32> to vector<16xi32>
      %swap3A_550 = vector.shape_cast %and3A_544 : vector<16xi32> to vector<1x16xi32>
      tpu.vector_store %arg9[%swap3A_546, %swap3A_547], %swap3A_550 {strides = array<i32>} : memref<1x128xi32, #tpu.memory_space<vmem>>, vector<1x16xi32>,
      %get3A_551 = arith.index_cast %add3A_418 : i32 to index
      %get3A_552 = arith.constant 96 : index
      %get3A_553 = tpu.vector_load %arg6[%get3A_551, %get3A_552] {strides = array<i32>} : memref<80x128xi32, #tpu.memory_space<vmem>>, vector<1x16xi32>,
      %get3A_554 = vector.shape_cast %get3A_553 : vector<1x16xi32> to vector<16xi32>
      %shift_right_logical3A_555 = arith.constant 14 : i32
      %shift_right_logical3A_556 = vector.broadcast %shift_right_logical3A_555 : i32 to vector<16xi32>
      %shift_right_logical3A_557 = arith.shrui %get3A_554, %shift_right_logical3A_556 : vector<16xi32>
      %swap3A_558 = arith.constant 0 : i32
      %swap3A_559 = arith.index_cast %swap3A_558 : i32 to index
      %swap3A_560 = arith.constant 96 : index
      %swap3A_561 = tpu.vector_load %arg7[%swap3A_559, %swap3A_560] {strides = array<i32>} : memref<1x128xi32, #tpu.memory_space<vmem>>, vector<1x16xi32>,
      %swap3A_562 = vector.shape_cast %swap3A_561 : vector<1x16xi32> to vector<16xi32>
      %swap3A_563 = vector.shape_cast %shift_right_logical3A_557 : vector<16xi32> to vector<1x16xi32>
      tpu.vector_store %arg7[%swap3A_559, %swap3A_560], %swap3A_563 {strides = array<i32>} : memref<1x128xi32, #tpu.memory_space<vmem>>, vector<1x16xi32>,
      %and3A_564 = arith.constant 16383 : i32
      %and3A_565 = vector.broadcast %and3A_564 : i32 to vector<16xi32>
      %and3A_566 = arith.andi %get3A_554, %and3A_565 : vector<16xi32>
      %swap3A_567 = arith.constant 0 : i32
      %swap3A_568 = arith.index_cast %swap3A_567 : i32 to index
      %swap3A_569 = arith.constant 96 : index
      %swap3A_570 = tpu.vector_load %arg9[%swap3A_568, %swap3A_569] {strides = array<i32>} : memref<1x128xi32, #tpu.memory_space<vmem>>, vector<1x16xi32>,
      %swap3A_571 = vector.shape_cast %swap3A_570 : vector<1x16xi32> to vector<16xi32>
      %swap3A_572 = vector.shape_cast %and3A_566 : vector<16xi32> to vector<1x16xi32>
      tpu.vector_store %arg9[%swap3A_568, %swap3A_569], %swap3A_572 {strides = array<i32>} : memref<1x128xi32, #tpu.memory_space<vmem>>, vector<1x16xi32>,
      %get3A_573 = arith.index_cast %add3A_418 : i32 to index
      %get3A_574 = arith.constant 112 : index
      %get3A_575 = tpu.vector_load %arg6[%get3A_573, %get3A_574] {strides = array<i32>} : memref<80x128xi32, #tpu.memory_space<vmem>>, vector<1x16xi32>,
      %get3A_576 = vector.shape_cast %get3A_575 : vector<1x16xi32> to vector<16xi32>
      %shift_right_logical3A_577 = arith.constant 14 : i32
      %shift_right_logical3A_578 = vector.broadcast %shift_right_logical3A_577 : i32 to vector<16xi32>
      %shift_right_logical3A_579 = arith.shrui %get3A_576, %shift_right_logical3A_578 : vector<16xi32>
      %swap3A_580 = arith.constant 0 : i32
      %swap3A_581 = arith.index_cast %swap3A_580 : i32 to index
      %swap3A_582 = arith.constant 112 : index
      %swap3A_583 = tpu.vector_load %arg7[%swap3A_581, %swap3A_582] {strides = array<i32>} : memref<1x128xi32, #tpu.memory_space<vmem>>, vector<1x16xi32>,
      %swap3A_584 = vector.shape_cast %swap3A_583 : vector<1x16xi32> to vector<16xi32>
      %swap3A_585 = vector.shape_cast %shift_right_logical3A_579 : vector<16xi32> to vector<1x16xi32>
      tpu.vector_store %arg7[%swap3A_581, %swap3A_582], %swap3A_585 {strides = array<i32>} : memref<1x128xi32, #tpu.memory_space<vmem>>, vector<1x16xi32>,
      %and3A_586 = arith.constant 16383 : i32
      %and3A_587 = vector.broadcast %and3A_586 : i32 to vector<16xi32>
      %and3A_588 = arith.andi %get3A_576, %and3A_587 : vector<16xi32>
      %swap3A_589 = arith.constant 0 : i32
      %swap3A_590 = arith.index_cast %swap3A_589 : i32 to index
      %swap3A_591 = arith.constant 112 : index
      %swap3A_592 = tpu.vector_load %arg9[%swap3A_590, %swap3A_591] {strides = array<i32>} : memref<1x128xi32, #tpu.memory_space<vmem>>, vector<1x16xi32>,
      %swap3A_593 = vector.shape_cast %swap3A_592 : vector<1x16xi32> to vector<16xi32>
      %swap3A_594 = vector.shape_cast %and3A_588 : vector<16xi32> to vector<1x16xi32>
      tpu.vector_store %arg9[%swap3A_590, %swap3A_591], %swap3A_594 {strides = array<i32>} : memref<1x128xi32, #tpu.memory_space<vmem>>, vector<1x16xi32>,
      %dma_start3A_595 = arith.constant 0 : i32
      %dma_start3A_596 = arith.constant 0 : i32
      %dma_start3A_597 = tpu.memref_slice %arg9[%dma_start3A_595, %dma_start3A_596] : memref<1x128xi32, #tpu.memory_space<vmem>> -> memref<1x128xi32, #tpu.memory_space<vmem>>
      %dma_start3A_598 = tpu.memref_squeeze %dma_start3A_597 : memref<1x128xi32, #tpu.memory_space<vmem>> -> memref<128xi32, #tpu.memory_space<vmem>>
      %dma_start3A_599 = arith.constant 0 : i32
      %dma_start3A_600 = arith.constant 0 : i32
      %dma_start3A_601 = tpu.memref_slice %arg2[%dma_start3A_599, %dma_start3A_600] : memref<10240x128xf32, #tpu.memory_space<hbm>> -> memref<10240x128xf32, #tpu.memory_space<hbm>>
      tpu.enqueue_indirect_dma source(%dma_start3A_601 : memref<10240x128xf32, #tpu.memory_space<hbm>>) target(%arg11 : memref<128x128xf32, #tpu.memory_space<vmem>>) offsets(%dma_start3A_598 : memref<128xi32, #tpu.memory_space<vmem>>) semaphore(%arg13 : memref<!tpu.dma_semaphore, #tpu.memory_space<semaphore_mem>>)
      %dma_wait3A_602 = arith.constant 0 : i32
      %dma_wait3A_603 = arith.constant 0 : i32
      %dma_wait3A_604 = tpu.memref_slice %arg10[%dma_wait3A_602, %dma_wait3A_603] : memref<1x128xi32, #tpu.memory_space<vmem>> -> memref<1x128xi32, #tpu.memory_space<vmem>>
      %dma_wait3A_605 = tpu.memref_squeeze %dma_wait3A_604 : memref<1x128xi32, #tpu.memory_space<vmem>> -> memref<128xi32, #tpu.memory_space<vmem>>
      %dma_wait3A_606 = arith.constant 0 : i32
      %dma_wait3A_607 = arith.constant 0 : i32
      %dma_wait3A_608 = tpu.memref_slice %arg2[%dma_wait3A_606, %dma_wait3A_607] : memref<10240x128xf32, #tpu.memory_space<hbm>> -> memref<10240x128xf32, #tpu.memory_space<hbm>>
      tpu.wait_indirect_dma semaphore(%arg14 : memref<!tpu.dma_semaphore, #tpu.memory_space<semaphore_mem>>) src(%dma_wait3A_608 : memref<10240x128xf32, #tpu.memory_space<hbm>>) dst(%arg12 : memref<128x128xf32, #tpu.memory_space<vmem>>)
      %run_scoped3A_609 = arith.constant 0 : i32
      "tpu.region"() ({
        %run_scoped3A_797 = tpu.sem_alloc : memref<!tpu.dma_semaphore, #tpu.memory_space<semaphore_mem>>
        %dma_start3A_798 = arith.constant 0 : i32
        %dma_start3A_799 = tpu.memref_slice %arg8[%run_scoped3A_609, %dma_start3A_798] : memref<1x128xi32, #tpu.memory_space<vmem>> -> memref<1x128xi32, #tpu.memory_space<vmem>>
        %dma_start3A_800 = tpu.memref_squeeze %dma_start3A_799 : memref<1x128xi32, #tpu.memory_space<vmem>> -> memref<128xi32, #tpu.memory_space<vmem>>
        %dma_start3A_801 = arith.constant 0 : i32
        %dma_start3A_802 = arith.constant 0 : i32
        %dma_start3A_803 = tpu.memref_slice %arg15[%dma_start3A_801, %dma_start3A_802] : memref<10240x128xf32, #tpu.memory_space<vmem_shared>> -> memref<10240x128xf32, #tpu.memory_space<vmem_shared>>
        tpu.enqueue_indirect_dma source(%arg12 : memref<128x128xf32, #tpu.memory_space<vmem>>) target(%dma_start3A_803 : memref<10240x128xf32, #tpu.memory_space<vmem_shared>>) offsets(%dma_start3A_800 : memref<128xi32, #tpu.memory_space<vmem>>) semaphore(%run_scoped3A_797 : memref<!tpu.dma_semaphore, #tpu.memory_space<semaphore_mem>>) {add = true}
        %dma_wait3A_804 = arith.constant 0 : i32
        %dma_wait3A_805 = tpu.memref_slice %arg8[%run_scoped3A_609, %dma_wait3A_804] : memref<1x128xi32, #tpu.memory_space<vmem>> -> memref<1x128xi32, #tpu.memory_space<vmem>>
        %dma_wait3A_806 = tpu.memref_squeeze %dma_wait3A_805 : memref<1x128xi32, #tpu.memory_space<vmem>> -> memref<128xi32, #tpu.memory_space<vmem>>
        %dma_wait3A_807 = arith.constant 0 : i32
        %dma_wait3A_808 = arith.constant 0 : i32
        %dma_wait3A_809 = tpu.memref_slice %arg15[%dma_wait3A_807, %dma_wait3A_808] : memref<10240x128xf32, #tpu.memory_space<vmem_shared>> -> memref<10240x128xf32, #tpu.memory_space<vmem_shared>>
        tpu.wait_indirect_dma semaphore(%run_scoped3A_797 : memref<!tpu.dma_semaphore, #tpu.memory_space<semaphore_mem>>) src(%arg12 : memref<128x128xf32, #tpu.memory_space<vmem>>) dst(%dma_wait3A_809 : memref<10240x128xf32, #tpu.memory_space<vmem_shared>>)
        tpu.yield
      }) : () -> ()
      %add3A_610 = arith.constant 1 : i32
      %add3A_611 = arith.addi %mul3A_406, %add3A_610 : i32
      %add3A_612 = arith.constant 2 : i32
      %add3A_613 = arith.addi %add3A_611, %add3A_612 : i32
      %get3A_614 = arith.index_cast %add3A_613 : i32 to index
      %get3A_615 = arith.constant 0 : index
      %get3A_616 = tpu.vector_load %arg6[%get3A_614, %get3A_615] {strides = array<i32>} : memref<80x128xi32, #tpu.memory_space<vmem>>, vector<1x16xi32>,
      %get3A_617 = vector.shape_cast %get3A_616 : vector<1x16xi32> to vector<16xi32>
      %shift_right_logical3A_618 = arith.constant 14 : i32
      %shift_right_logical3A_619 = vector.broadcast %shift_right_logical3A_618 : i32 to vector<16xi32>
      %shift_right_logical3A_620 = arith.shrui %get3A_617, %shift_right_logical3A_619 : vector<16xi32>
      %swap3A_621 = arith.constant 0 : i32
      %swap3A_622 = arith.index_cast %swap3A_621 : i32 to index
      %swap3A_623 = arith.constant 0 : index
      %swap3A_624 = tpu.vector_load %arg8[%swap3A_622, %swap3A_623] {strides = array<i32>} : memref<1x128xi32, #tpu.memory_space<vmem>>, vector<1x16xi32>,
      %swap3A_625 = vector.shape_cast %swap3A_624 : vector<1x16xi32> to vector<16xi32>
      %swap3A_626 = vector.shape_cast %shift_right_logical3A_620 : vector<16xi32> to vector<1x16xi32>
      tpu.vector_store %arg8[%swap3A_622, %swap3A_623], %swap3A_626 {strides = array<i32>} : memref<1x128xi32, #tpu.memory_space<vmem>>, vector<1x16xi32>,
      %and3A_627 = arith.constant 16383 : i32
      %and3A_628 = vector.broadcast %and3A_627 : i32 to vector<16xi32>
      %and3A_629 = arith.andi %get3A_617, %and3A_628 : vector<16xi32>
      %swap3A_630 = arith.constant 0 : i32
      %swap3A_631 = arith.index_cast %swap3A_630 : i32 to index
      %swap3A_632 = arith.constant 0 : index
      %swap3A_633 = tpu.vector_load %arg10[%swap3A_631, %swap3A_632] {strides = array<i32>} : memref<1x128xi32, #tpu.memory_space<vmem>>, vector<1x16xi32>,
      %swap3A_634 = vector.shape_cast %swap3A_633 : vector<1x16xi32> to vector<16xi32>
      %swap3A_635 = vector.shape_cast %and3A_629 : vector<16xi32> to vector<1x16xi32>
      tpu.vector_store %arg10[%swap3A_631, %swap3A_632], %swap3A_635 {strides = array<i32>} : memref<1x128xi32, #tpu.memory_space<vmem>>, vector<1x16xi32>,
      %get3A_636 = arith.index_cast %add3A_613 : i32 to index
      %get3A_637 = arith.constant 16 : index
      %get3A_638 = tpu.vector_load %arg6[%get3A_636, %get3A_637] {strides = array<i32>} : memref<80x128xi32, #tpu.memory_space<vmem>>, vector<1x16xi32>,
      %get3A_639 = vector.shape_cast %get3A_638 : vector<1x16xi32> to vector<16xi32>
      %shift_right_logical3A_640 = arith.constant 14 : i32
      %shift_right_logical3A_641 = vector.broadcast %shift_right_logical3A_640 : i32 to vector<16xi32>
      %shift_right_logical3A_642 = arith.shrui %get3A_639, %shift_right_logical3A_641 : vector<16xi32>
      %swap3A_643 = arith.constant 0 : i32
      %swap3A_644 = arith.index_cast %swap3A_643 : i32 to index
      %swap3A_645 = arith.constant 16 : index
      %swap3A_646 = tpu.vector_load %arg8[%swap3A_644, %swap3A_645] {strides = array<i32>} : memref<1x128xi32, #tpu.memory_space<vmem>>, vector<1x16xi32>,
      %swap3A_647 = vector.shape_cast %swap3A_646 : vector<1x16xi32> to vector<16xi32>
      %swap3A_648 = vector.shape_cast %shift_right_logical3A_642 : vector<16xi32> to vector<1x16xi32>
      tpu.vector_store %arg8[%swap3A_644, %swap3A_645], %swap3A_648 {strides = array<i32>} : memref<1x128xi32, #tpu.memory_space<vmem>>, vector<1x16xi32>,
      %and3A_649 = arith.constant 16383 : i32
      %and3A_650 = vector.broadcast %and3A_649 : i32 to vector<16xi32>
      %and3A_651 = arith.andi %get3A_639, %and3A_650 : vector<16xi32>
      %swap3A_652 = arith.constant 0 : i32
      %swap3A_653 = arith.index_cast %swap3A_652 : i32 to index
      %swap3A_654 = arith.constant 16 : index
      %swap3A_655 = tpu.vector_load %arg10[%swap3A_653, %swap3A_654] {strides = array<i32>} : memref<1x128xi32, #tpu.memory_space<vmem>>, vector<1x16xi32>,
      %swap3A_656 = vector.shape_cast %swap3A_655 : vector<1x16xi32> to vector<16xi32>
      %swap3A_657 = vector.shape_cast %and3A_651 : vector<16xi32> to vector<1x16xi32>
      tpu.vector_store %arg10[%swap3A_653, %swap3A_654], %swap3A_657 {strides = array<i32>} : memref<1x128xi32, #tpu.memory_space<vmem>>, vector<1x16xi32>,
      %get3A_658 = arith.index_cast %add3A_613 : i32 to index
      %get3A_659 = arith.constant 32 : index
      %get3A_660 = tpu.vector_load %arg6[%get3A_658, %get3A_659] {strides = array<i32>} : memref<80x128xi32, #tpu.memory_space<vmem>>, vector<1x16xi32>,
      %get3A_661 = vector.shape_cast %get3A_660 : vector<1x16xi32> to vector<16xi32>
      %shift_right_logical3A_662 = arith.constant 14 : i32
      %shift_right_logical3A_663 = vector.broadcast %shift_right_logical3A_662 : i32 to vector<16xi32>
      %shift_right_logical3A_664 = arith.shrui %get3A_661, %shift_right_logical3A_663 : vector<16xi32>
      %swap3A_665 = arith.constant 0 : i32
      %swap3A_666 = arith.index_cast %swap3A_665 : i32 to index
      %swap3A_667 = arith.constant 32 : index
      %swap3A_668 = tpu.vector_load %arg8[%swap3A_666, %swap3A_667] {strides = array<i32>} : memref<1x128xi32, #tpu.memory_space<vmem>>, vector<1x16xi32>,
      %swap3A_669 = vector.shape_cast %swap3A_668 : vector<1x16xi32> to vector<16xi32>
      %swap3A_670 = vector.shape_cast %shift_right_logical3A_664 : vector<16xi32> to vector<1x16xi32>
      tpu.vector_store %arg8[%swap3A_666, %swap3A_667], %swap3A_670 {strides = array<i32>} : memref<1x128xi32, #tpu.memory_space<vmem>>, vector<1x16xi32>,
      %and3A_671 = arith.constant 16383 : i32
      %and3A_672 = vector.broadcast %and3A_671 : i32 to vector<16xi32>
      %and3A_673 = arith.andi %get3A_661, %and3A_672 : vector<16xi32>
      %swap3A_674 = arith.constant 0 : i32
      %swap3A_675 = arith.index_cast %swap3A_674 : i32 to index
      %swap3A_676 = arith.constant 32 : index
      %swap3A_677 = tpu.vector_load %arg10[%swap3A_675, %swap3A_676] {strides = array<i32>} : memref<1x128xi32, #tpu.memory_space<vmem>>, vector<1x16xi32>,
      %swap3A_678 = vector.shape_cast %swap3A_677 : vector<1x16xi32> to vector<16xi32>
      %swap3A_679 = vector.shape_cast %and3A_673 : vector<16xi32> to vector<1x16xi32>
      tpu.vector_store %arg10[%swap3A_675, %swap3A_676], %swap3A_679 {strides = array<i32>} : memref<1x128xi32, #tpu.memory_space<vmem>>, vector<1x16xi32>,
      %get3A_680 = arith.index_cast %add3A_613 : i32 to index
      %get3A_681 = arith.constant 48 : index
      %get3A_682 = tpu.vector_load %arg6[%get3A_680, %get3A_681] {strides = array<i32>} : memref<80x128xi32, #tpu.memory_space<vmem>>, vector<1x16xi32>,
      %get3A_683 = vector.shape_cast %get3A_682 : vector<1x16xi32> to vector<16xi32>
      %shift_right_logical3A_684 = arith.constant 14 : i32
      %shift_right_logical3A_685 = vector.broadcast %shift_right_logical3A_684 : i32 to vector<16xi32>
      %shift_right_logical3A_686 = arith.shrui %get3A_683, %shift_right_logical3A_685 : vector<16xi32>
      %swap3A_687 = arith.constant 0 : i32
      %swap3A_688 = arith.index_cast %swap3A_687 : i32 to index
      %swap3A_689 = arith.constant 48 : index
      %swap3A_690 = tpu.vector_load %arg8[%swap3A_688, %swap3A_689] {strides = array<i32>} : memref<1x128xi32, #tpu.memory_space<vmem>>, vector<1x16xi32>,
      %swap3A_691 = vector.shape_cast %swap3A_690 : vector<1x16xi32> to vector<16xi32>
      %swap3A_692 = vector.shape_cast %shift_right_logical3A_686 : vector<16xi32> to vector<1x16xi32>
      tpu.vector_store %arg8[%swap3A_688, %swap3A_689], %swap3A_692 {strides = array<i32>} : memref<1x128xi32, #tpu.memory_space<vmem>>, vector<1x16xi32>,
      %and3A_693 = arith.constant 16383 : i32
      %and3A_694 = vector.broadcast %and3A_693 : i32 to vector<16xi32>
      %and3A_695 = arith.andi %get3A_683, %and3A_694 : vector<16xi32>
      %swap3A_696 = arith.constant 0 : i32
      %swap3A_697 = arith.index_cast %swap3A_696 : i32 to index
      %swap3A_698 = arith.constant 48 : index
      %swap3A_699 = tpu.vector_load %arg10[%swap3A_697, %swap3A_698] {strides = array<i32>} : memref<1x128xi32, #tpu.memory_space<vmem>>, vector<1x16xi32>,
      %swap3A_700 = vector.shape_cast %swap3A_699 : vector<1x16xi32> to vector<16xi32>
      %swap3A_701 = vector.shape_cast %and3A_695 : vector<16xi32> to vector<1x16xi32>
      tpu.vector_store %arg10[%swap3A_697, %swap3A_698], %swap3A_701 {strides = array<i32>} : memref<1x128xi32, #tpu.memory_space<vmem>>, vector<1x16xi32>,
      %get3A_702 = arith.index_cast %add3A_613 : i32 to index
      %get3A_703 = arith.constant 64 : index
      %get3A_704 = tpu.vector_load %arg6[%get3A_702, %get3A_703] {strides = array<i32>} : memref<80x128xi32, #tpu.memory_space<vmem>>, vector<1x16xi32>,
      %get3A_705 = vector.shape_cast %get3A_704 : vector<1x16xi32> to vector<16xi32>
      %shift_right_logical3A_706 = arith.constant 14 : i32
      %shift_right_logical3A_707 = vector.broadcast %shift_right_logical3A_706 : i32 to vector<16xi32>
      %shift_right_logical3A_708 = arith.shrui %get3A_705, %shift_right_logical3A_707 : vector<16xi32>
      %swap3A_709 = arith.constant 0 : i32
      %swap3A_710 = arith.index_cast %swap3A_709 : i32 to index
      %swap3A_711 = arith.constant 64 : index
      %swap3A_712 = tpu.vector_load %arg8[%swap3A_710, %swap3A_711] {strides = array<i32>} : memref<1x128xi32, #tpu.memory_space<vmem>>, vector<1x16xi32>,
      %swap3A_713 = vector.shape_cast %swap3A_712 : vector<1x16xi32> to vector<16xi32>
      %swap3A_714 = vector.shape_cast %shift_right_logical3A_708 : vector<16xi32> to vector<1x16xi32>
      tpu.vector_store %arg8[%swap3A_710, %swap3A_711], %swap3A_714 {strides = array<i32>} : memref<1x128xi32, #tpu.memory_space<vmem>>, vector<1x16xi32>,
      %and3A_715 = arith.constant 16383 : i32
      %and3A_716 = vector.broadcast %and3A_715 : i32 to vector<16xi32>
      %and3A_717 = arith.andi %get3A_705, %and3A_716 : vector<16xi32>
      %swap3A_718 = arith.constant 0 : i32
      %swap3A_719 = arith.index_cast %swap3A_718 : i32 to index
      %swap3A_720 = arith.constant 64 : index
      %swap3A_721 = tpu.vector_load %arg10[%swap3A_719, %swap3A_720] {strides = array<i32>} : memref<1x128xi32, #tpu.memory_space<vmem>>, vector<1x16xi32>,
      %swap3A_722 = vector.shape_cast %swap3A_721 : vector<1x16xi32> to vector<16xi32>
      %swap3A_723 = vector.shape_cast %and3A_717 : vector<16xi32> to vector<1x16xi32>
      tpu.vector_store %arg10[%swap3A_719, %swap3A_720], %swap3A_723 {strides = array<i32>} : memref<1x128xi32, #tpu.memory_space<vmem>>, vector<1x16xi32>,
      %get3A_724 = arith.index_cast %add3A_613 : i32 to index
      %get3A_725 = arith.constant 80 : index
      %get3A_726 = tpu.vector_load %arg6[%get3A_724, %get3A_725] {strides = array<i32>} : memref<80x128xi32, #tpu.memory_space<vmem>>, vector<1x16xi32>,
      %get3A_727 = vector.shape_cast %get3A_726 : vector<1x16xi32> to vector<16xi32>
      %shift_right_logical3A_728 = arith.constant 14 : i32
      %shift_right_logical3A_729 = vector.broadcast %shift_right_logical3A_728 : i32 to vector<16xi32>
      %shift_right_logical3A_730 = arith.shrui %get3A_727, %shift_right_logical3A_729 : vector<16xi32>
      %swap3A_731 = arith.constant 0 : i32
      %swap3A_732 = arith.index_cast %swap3A_731 : i32 to index
      %swap3A_733 = arith.constant 80 : index
      %swap3A_734 = tpu.vector_load %arg8[%swap3A_732, %swap3A_733] {strides = array<i32>} : memref<1x128xi32, #tpu.memory_space<vmem>>, vector<1x16xi32>,
      %swap3A_735 = vector.shape_cast %swap3A_734 : vector<1x16xi32> to vector<16xi32>
      %swap3A_736 = vector.shape_cast %shift_right_logical3A_730 : vector<16xi32> to vector<1x16xi32>
      tpu.vector_store %arg8[%swap3A_732, %swap3A_733], %swap3A_736 {strides = array<i32>} : memref<1x128xi32, #tpu.memory_space<vmem>>, vector<1x16xi32>,
      %and3A_737 = arith.constant 16383 : i32
      %and3A_738 = vector.broadcast %and3A_737 : i32 to vector<16xi32>
      %and3A_739 = arith.andi %get3A_727, %and3A_738 : vector<16xi32>
      %swap3A_740 = arith.constant 0 : i32
      %swap3A_741 = arith.index_cast %swap3A_740 : i32 to index
      %swap3A_742 = arith.constant 80 : index
      %swap3A_743 = tpu.vector_load %arg10[%swap3A_741, %swap3A_742] {strides = array<i32>} : memref<1x128xi32, #tpu.memory_space<vmem>>, vector<1x16xi32>,
      %swap3A_744 = vector.shape_cast %swap3A_743 : vector<1x16xi32> to vector<16xi32>
      %swap3A_745 = vector.shape_cast %and3A_739 : vector<16xi32> to vector<1x16xi32>
      tpu.vector_store %arg10[%swap3A_741, %swap3A_742], %swap3A_745 {strides = array<i32>} : memref<1x128xi32, #tpu.memory_space<vmem>>, vector<1x16xi32>,
      %get3A_746 = arith.index_cast %add3A_613 : i32 to index
      %get3A_747 = arith.constant 96 : index
      %get3A_748 = tpu.vector_load %arg6[%get3A_746, %get3A_747] {strides = array<i32>} : memref<80x128xi32, #tpu.memory_space<vmem>>, vector<1x16xi32>,
      %get3A_749 = vector.shape_cast %get3A_748 : vector<1x16xi32> to vector<16xi32>
      %shift_right_logical3A_750 = arith.constant 14 : i32
      %shift_right_logical3A_751 = vector.broadcast %shift_right_logical3A_750 : i32 to vector<16xi32>
      %shift_right_logical3A_752 = arith.shrui %get3A_749, %shift_right_logical3A_751 : vector<16xi32>
      %swap3A_753 = arith.constant 0 : i32
      %swap3A_754 = arith.index_cast %swap3A_753 : i32 to index
      %swap3A_755 = arith.constant 96 : index
      %swap3A_756 = tpu.vector_load %arg8[%swap3A_754, %swap3A_755] {strides = array<i32>} : memref<1x128xi32, #tpu.memory_space<vmem>>, vector<1x16xi32>,
      %swap3A_757 = vector.shape_cast %swap3A_756 : vector<1x16xi32> to vector<16xi32>
      %swap3A_758 = vector.shape_cast %shift_right_logical3A_752 : vector<16xi32> to vector<1x16xi32>
      tpu.vector_store %arg8[%swap3A_754, %swap3A_755], %swap3A_758 {strides = array<i32>} : memref<1x128xi32, #tpu.memory_space<vmem>>, vector<1x16xi32>,
      %and3A_759 = arith.constant 16383 : i32
      %and3A_760 = vector.broadcast %and3A_759 : i32 to vector<16xi32>
      %and3A_761 = arith.andi %get3A_749, %and3A_760 : vector<16xi32>
      %swap3A_762 = arith.constant 0 : i32
      %swap3A_763 = arith.index_cast %swap3A_762 : i32 to index
      %swap3A_764 = arith.constant 96 : index
      %swap3A_765 = tpu.vector_load %arg10[%swap3A_763, %swap3A_764] {strides = array<i32>} : memref<1x128xi32, #tpu.memory_space<vmem>>, vector<1x16xi32>,
      %swap3A_766 = vector.shape_cast %swap3A_765 : vector<1x16xi32> to vector<16xi32>
      %swap3A_767 = vector.shape_cast %and3A_761 : vector<16xi32> to vector<1x16xi32>
      tpu.vector_store %arg10[%swap3A_763, %swap3A_764], %swap3A_767 {strides = array<i32>} : memref<1x128xi32, #tpu.memory_space<vmem>>, vector<1x16xi32>,
      %get3A_768 = arith.index_cast %add3A_613 : i32 to index
      %get3A_769 = arith.constant 112 : index
      %get3A_770 = tpu.vector_load %arg6[%get3A_768, %get3A_769] {strides = array<i32>} : memref<80x128xi32, #tpu.memory_space<vmem>>, vector<1x16xi32>,
      %get3A_771 = vector.shape_cast %get3A_770 : vector<1x16xi32> to vector<16xi32>
      %shift_right_logical3A_772 = arith.constant 14 : i32
      %shift_right_logical3A_773 = vector.broadcast %shift_right_logical3A_772 : i32 to vector<16xi32>
      %shift_right_logical3A_774 = arith.shrui %get3A_771, %shift_right_logical3A_773 : vector<16xi32>
      %swap3A_775 = arith.constant 0 : i32
      %swap3A_776 = arith.index_cast %swap3A_775 : i32 to index
      %swap3A_777 = arith.constant 112 : index
      %swap3A_778 = tpu.vector_load %arg8[%swap3A_776, %swap3A_777] {strides = array<i32>} : memref<1x128xi32, #tpu.memory_space<vmem>>, vector<1x16xi32>,
      %swap3A_779 = vector.shape_cast %swap3A_778 : vector<1x16xi32> to vector<16xi32>
      %swap3A_780 = vector.shape_cast %shift_right_logical3A_774 : vector<16xi32> to vector<1x16xi32>
      tpu.vector_store %arg8[%swap3A_776, %swap3A_777], %swap3A_780 {strides = array<i32>} : memref<1x128xi32, #tpu.memory_space<vmem>>, vector<1x16xi32>,
      %and3A_781 = arith.constant 16383 : i32
      %and3A_782 = vector.broadcast %and3A_781 : i32 to vector<16xi32>
      %and3A_783 = arith.andi %get3A_771, %and3A_782 : vector<16xi32>
      %swap3A_784 = arith.constant 0 : i32
      %swap3A_785 = arith.index_cast %swap3A_784 : i32 to index
      %swap3A_786 = arith.constant 112 : index
      %swap3A_787 = tpu.vector_load %arg10[%swap3A_785, %swap3A_786] {strides = array<i32>} : memref<1x128xi32, #tpu.memory_space<vmem>>, vector<1x16xi32>,
      %swap3A_788 = vector.shape_cast %swap3A_787 : vector<1x16xi32> to vector<16xi32>
      %swap3A_789 = vector.shape_cast %and3A_783 : vector<16xi32> to vector<1x16xi32>
      tpu.vector_store %arg10[%swap3A_785, %swap3A_786], %swap3A_789 {strides = array<i32>} : memref<1x128xi32, #tpu.memory_space<vmem>>, vector<1x16xi32>,
      %dma_start3A_790 = arith.constant 0 : i32
      %dma_start3A_791 = arith.constant 0 : i32
      %dma_start3A_792 = tpu.memref_slice %arg10[%dma_start3A_790, %dma_start3A_791] : memref<1x128xi32, #tpu.memory_space<vmem>> -> memref<1x128xi32, #tpu.memory_space<vmem>>
      %dma_start3A_793 = tpu.memref_squeeze %dma_start3A_792 : memref<1x128xi32, #tpu.memory_space<vmem>> -> memref<128xi32, #tpu.memory_space<vmem>>
      %dma_start3A_794 = arith.constant 0 : i32
      %dma_start3A_795 = arith.constant 0 : i32
      %dma_start3A_796 = tpu.memref_slice %arg2[%dma_start3A_794, %dma_start3A_795] : memref<10240x128xf32, #tpu.memory_space<hbm>> -> memref<10240x128xf32, #tpu.memory_space<hbm>>
      tpu.enqueue_indirect_dma source(%dma_start3A_796 : memref<10240x128xf32, #tpu.memory_space<hbm>>) target(%arg12 : memref<128x128xf32, #tpu.memory_space<vmem>>) offsets(%dma_start3A_793 : memref<128xi32, #tpu.memory_space<vmem>>) semaphore(%arg14 : memref<!tpu.dma_semaphore, #tpu.memory_space<semaphore_mem>>)
    }
    %scan3A_384 = arith.constant 39 : i32
    %dma_wait3A = arith.constant 0 : i32
    %dma_wait3A_385 = arith.constant 0 : i32
    %dma_wait3A_386 = tpu.memref_slice %arg9[%dma_wait3A, %dma_wait3A_385] : memref<1x128xi32, #tpu.memory_space<vmem>> -> memref<1x128xi32, #tpu.memory_space<vmem>>
    %dma_wait3A_387 = tpu.memref_squeeze %dma_wait3A_386 : memref<1x128xi32, #tpu.memory_space<vmem>> -> memref<128xi32, #tpu.memory_space<vmem>>
    %dma_wait3A_388 = arith.constant 0 : i32
    %dma_wait3A_389 = arith.constant 0 : i32
    %dma_wait3A_390 = tpu.memref_slice %arg2[%dma_wait3A_388, %dma_wait3A_389] : memref<10240x128xf32, #tpu.memory_space<hbm>> -> memref<10240x128xf32, #tpu.memory_space<hbm>>
    tpu.wait_indirect_dma semaphore(%arg13 : memref<!tpu.dma_semaphore, #tpu.memory_space<semaphore_mem>>) src(%dma_wait3A_390 : memref<10240x128xf32, #tpu.memory_space<hbm>>) dst(%arg11 : memref<128x128xf32, #tpu.memory_space<vmem>>)
    %run_scoped3A = arith.constant 0 : i32
    "tpu.region"() ({
      %run_scoped3A_404 = tpu.sem_alloc : memref<!tpu.dma_semaphore, #tpu.memory_space<semaphore_mem>>
      %dma_start3A_405 = arith.constant 0 : i32
      %dma_start3A_406 = tpu.memref_slice %arg7[%run_scoped3A, %dma_start3A_405] : memref<1x128xi32, #tpu.memory_space<vmem>> -> memref<1x128xi32, #tpu.memory_space<vmem>>
      %dma_start3A_407 = tpu.memref_squeeze %dma_start3A_406 : memref<1x128xi32, #tpu.memory_space<vmem>> -> memref<128xi32, #tpu.memory_space<vmem>>
      %dma_start3A_408 = arith.constant 0 : i32
      %dma_start3A_409 = arith.constant 0 : i32
      %dma_start3A_410 = tpu.memref_slice %arg15[%dma_start3A_408, %dma_start3A_409] : memref<10240x128xf32, #tpu.memory_space<vmem_shared>> -> memref<10240x128xf32, #tpu.memory_space<vmem_shared>>
      tpu.enqueue_indirect_dma source(%arg11 : memref<128x128xf32, #tpu.memory_space<vmem>>) target(%dma_start3A_410 : memref<10240x128xf32, #tpu.memory_space<vmem_shared>>) offsets(%dma_start3A_407 : memref<128xi32, #tpu.memory_space<vmem>>) semaphore(%run_scoped3A_404 : memref<!tpu.dma_semaphore, #tpu.memory_space<semaphore_mem>>) {add = true}
      %dma_wait3A_411 = arith.constant 0 : i32
      %dma_wait3A_412 = tpu.memref_slice %arg7[%run_scoped3A, %dma_wait3A_411] : memref<1x128xi32, #tpu.memory_space<vmem>> -> memref<1x128xi32, #tpu.memory_space<vmem>>
      %dma_wait3A_413 = tpu.memref_squeeze %dma_wait3A_412 : memref<1x128xi32, #tpu.memory_space<vmem>> -> memref<128xi32, #tpu.memory_space<vmem>>
      %dma_wait3A_414 = arith.constant 0 : i32
      %dma_wait3A_415 = arith.constant 0 : i32
      %dma_wait3A_416 = tpu.memref_slice %arg15[%dma_wait3A_414, %dma_wait3A_415] : memref<10240x128xf32, #tpu.memory_space<vmem_shared>> -> memref<10240x128xf32, #tpu.memory_space<vmem_shared>>
      tpu.wait_indirect_dma semaphore(%run_scoped3A_404 : memref<!tpu.dma_semaphore, #tpu.memory_space<semaphore_mem>>) src(%arg11 : memref<128x128xf32, #tpu.memory_space<vmem>>) dst(%dma_wait3A_416 : memref<10240x128xf32, #tpu.memory_space<vmem_shared>>)
      tpu.yield
    }) : () -> ()
    %dma_wait3A_391 = arith.constant 0 : i32
    %dma_wait3A_392 = arith.constant 0 : i32
    %dma_wait3A_393 = tpu.memref_slice %arg10[%dma_wait3A_391, %dma_wait3A_392] : memref<1x128xi32, #tpu.memory_space<vmem>> -> memref<1x128xi32, #tpu.memory_space<vmem>>
    %dma_wait3A_394 = tpu.memref_squeeze %dma_wait3A_393 : memref<1x128xi32, #tpu.memory_space<vmem>> -> memref<128xi32, #tpu.memory_space<vmem>>
    %dma_wait3A_395 = arith.constant 0 : i32
    %dma_wait3A_396 = arith.constant 0 : i32
    %dma_wait3A_397 = tpu.memref_slice %arg2[%dma_wait3A_395, %dma_wait3A_396] : memref<10240x128xf32, #tpu.memory_space<hbm>> -> memref<10240x128xf32, #tpu.memory_space<hbm>>
    tpu.wait_indirect_dma semaphore(%arg14 : memref<!tpu.dma_semaphore, #tpu.memory_space<semaphore_mem>>) src(%dma_wait3A_397 : memref<10240x128xf32, #tpu.memory_space<hbm>>) dst(%arg12 : memref<128x128xf32, #tpu.memory_space<vmem>>)
    %run_scoped3A_398 = arith.constant 0 : i32
    "tpu.region"() ({
      %run_scoped3A_404 = tpu.sem_alloc : memref<!tpu.dma_semaphore, #tpu.memory_space<semaphore_mem>>
      %dma_start3A_405 = arith.constant 0 : i32
      %dma_start3A_406 = tpu.memref_slice %arg8[%run_scoped3A_398, %dma_start3A_405] : memref<1x128xi32, #tpu.memory_space<vmem>> -> memref<1x128xi32, #tpu.memory_space<vmem>>
      %dma_start3A_407 = tpu.memref_squeeze %dma_start3A_406 : memref<1x128xi32, #tpu.memory_space<vmem>> -> memref<128xi32, #tpu.memory_space<vmem>>
      %dma_start3A_408 = arith.constant 0 : i32
      %dma_start3A_409 = arith.constant 0 : i32
      %dma_start3A_410 = tpu.memref_slice %arg15[%dma_start3A_408, %dma_start3A_409] : memref<10240x128xf32, #tpu.memory_space<vmem_shared>> -> memref<10240x128xf32, #tpu.memory_space<vmem_shared>>
      tpu.enqueue_indirect_dma source(%arg12 : memref<128x128xf32, #tpu.memory_space<vmem>>) target(%dma_start3A_410 : memref<10240x128xf32, #tpu.memory_space<vmem_shared>>) offsets(%dma_start3A_407 : memref<128xi32, #tpu.memory_space<vmem>>) semaphore(%run_scoped3A_404 : memref<!tpu.dma_semaphore, #tpu.memory_space<semaphore_mem>>) {add = true}
      %dma_wait3A_411 = arith.constant 0 : i32
      %dma_wait3A_412 = tpu.memref_slice %arg8[%run_scoped3A_398, %dma_wait3A_411] : memref<1x128xi32, #tpu.memory_space<vmem>> -> memref<1x128xi32, #tpu.memory_space<vmem>>
      %dma_wait3A_413 = tpu.memref_squeeze %dma_wait3A_412 : memref<1x128xi32, #tpu.memory_space<vmem>> -> memref<128xi32, #tpu.memory_space<vmem>>
      %dma_wait3A_414 = arith.constant 0 : i32
      %dma_wait3A_415 = arith.constant 0 : i32
      %dma_wait3A_416 = tpu.memref_slice %arg15[%dma_wait3A_414, %dma_wait3A_415] : memref<10240x128xf32, #tpu.memory_space<vmem_shared>> -> memref<10240x128xf32, #tpu.memory_space<vmem_shared>>
      tpu.wait_indirect_dma semaphore(%run_scoped3A_404 : memref<!tpu.dma_semaphore, #tpu.memory_space<semaphore_mem>>) src(%arg12 : memref<128x128xf32, #tpu.memory_space<vmem>>) dst(%dma_wait3A_416 : memref<10240x128xf32, #tpu.memory_space<vmem_shared>>)
      tpu.yield
    }) : () -> ()
    %barrier3A_399 = arith.constant 0 : index
    tpu.barrier barrier_id(%barrier3A_399)
    %mul3A_400 = arith.constant 640 : i32
    %mul3A_401 = arith.muli %arg1, %mul3A_400 : i32
    %mul3A_402 = arith.constant 640 : i32
    %mul3A_403 = arith.muli %arg1, %mul3A_402 : i32
    "tpu.region"() ({
      %run_scoped3A_404 = tpu.sem_alloc : memref<!tpu.dma_semaphore, #tpu.memory_space<semaphore_mem>>
      %dma_start3A_405 = arith.constant 0 : i32
      %dma_start3A_406 = tpu.memref_slice %arg5[%arg0, %mul3A_403, %dma_start3A_405] : memref<2x10240x128xf32, #tpu.memory_space<hbm>> -> memref<1x640x128xf32, #tpu.memory_space<hbm>>
      %dma_start3A_407 = tpu.memref_squeeze %dma_start3A_406 : memref<1x640x128xf32, #tpu.memory_space<hbm>> -> memref<640x128xf32, #tpu.memory_space<hbm>>
      %dma_start3A_408 = arith.constant 0 : i32
      %dma_start3A_409 = tpu.memref_slice %arg15[%mul3A_401, %dma_start3A_408] : memref<10240x128xf32, #tpu.memory_space<vmem_shared>> -> memref<640x128xf32, #tpu.memory_space<vmem_shared>>
      tpu.enqueue_dma source(%dma_start3A_409 : memref<640x128xf32, #tpu.memory_space<vmem_shared>>) target(%dma_start3A_407 : memref<640x128xf32, #tpu.memory_space<hbm>>) target_semaphore(%run_scoped3A_404 : memref<!tpu.dma_semaphore, #tpu.memory_space<semaphore_mem>>)
      %dma_wait3A_410 = arith.constant 0 : i32
      %dma_wait3A_411 = tpu.memref_slice %arg5[%arg0, %mul3A_403, %dma_wait3A_410] : memref<2x10240x128xf32, #tpu.memory_space<hbm>> -> memref<1x640x128xf32, #tpu.memory_space<hbm>>
      %dma_wait3A_412 = tpu.memref_squeeze %dma_wait3A_411 : memref<1x640x128xf32, #tpu.memory_space<hbm>> -> memref<640x128xf32, #tpu.memory_space<hbm>>
      %dma_wait3A_413 = arith.constant 0 : i32
      %dma_wait3A_414 = tpu.memref_slice %arg15[%mul3A_401, %dma_wait3A_413] : memref<10240x128xf32, #tpu.memory_space<vmem_shared>> -> memref<640x128xf32, #tpu.memory_space<vmem_shared>>
      tpu.wait_dma2 semaphore(%run_scoped3A_404 : memref<!tpu.dma_semaphore, #tpu.memory_space<semaphore_mem>>) src(%dma_wait3A_414 : memref<640x128xf32, #tpu.memory_space<vmem_shared>>) dst(%dma_wait3A_412 : memref<640x128xf32, #tpu.memory_space<hbm>>)
      tpu.yield
    }) : () -> ()
    return
  }
}

module attributes {stable_mosaic.version = 14 : i64} {
  func.func @_lin_body(%arg0: i32, %arg1: memref<1024x128xf32, #tpu.memory_space<vmem>>, %arg2: memref<128x128xf32, #tpu.memory_space<vmem>>, %arg3: memref<2x1024x1xf32, #tpu.memory_space<vmem>>, %arg4: memref<1024x128xf32, #tpu.memory_space<vmem>>, %arg5: memref<1024x1xf32, #tpu.memory_space<vmem>>) attributes {dimension_semantics = [#tpu.dimension_semantics<arbitrary>], iteration_bounds = array<i64: 10>, scalar_prefetch = 0 : i64, scratch_operands = 0 : i64, tpu.core_type = #tpu.core_type<tc>, window_params = [{transform_indices = @transform_0, window_bounds = array<i64: 1024, 128>}, {pipeline_mode = #tpu.pipeline_mode<synchronous>, transform_indices = @transform_1, window_bounds = array<i64: 128, 128>}, {transform_indices = @transform_2, window_bounds = array<i64: 2, 1024, 1>}, {transform_indices = @transform_3, window_bounds = array<i64: 1024, 128>}, {transform_indices = @transform_4, window_bounds = array<i64: 1024, 1>}]} {
    %get3A = arith.constant 0 : index
    %get3A_0 = arith.constant 0 : index
    %get3A_1 = arith.constant 0 : index
    %get3A_2 = vector.load %arg3[%get3A, %get3A_0, %get3A_1] : memref<2x1024x1xf32, #tpu.memory_space<vmem>>, vector<1x1024x1xf32>
    %get3A_3 = vector.shape_cast %get3A_2 : vector<1x1024x1xf32> to vector<1024x1xf32>
    %get3A_4 = arith.constant 1 : index
    %get3A_5 = arith.constant 0 : index
    %get3A_6 = arith.constant 0 : index
    %get3A_7 = vector.load %arg3[%get3A_4, %get3A_5, %get3A_6] : memref<2x1024x1xf32, #tpu.memory_space<vmem>>, vector<1x1024x1xf32>
    %get3A_8 = vector.shape_cast %get3A_7 : vector<1x1024x1xf32> to vector<1024x1xf32>
    %add3A = arith.addf %get3A_3, %get3A_8 : vector<1024x1xf32>
    %add3A_9 = arith.constant 1.000000e+00 : f32
    %add3A_10 = vector.broadcast %add3A_9 : f32 to vector<1024x1xf32>
    %add3A_11 = arith.addf %add3A, %add3A_10 : vector<1024x1xf32>
    %rsqrt3A = math.rsqrt %add3A_11 : vector<1024x1xf32>
    %get3A_12 = arith.constant 0 : index
    %get3A_13 = arith.constant 0 : index
    %get3A_14 = vector.load %arg1[%get3A_12, %get3A_13] : memref<1024x128xf32, #tpu.memory_space<vmem>>, vector<1024x128xf32>
    %get3A_15 = arith.constant 0 : index
    %get3A_16 = arith.constant 0 : index
    %get3A_17 = vector.load %arg2[%get3A_15, %get3A_16] : memref<128x128xf32, #tpu.memory_space<vmem>>, vector<128x128xf32>
    %dot_general3A = arith.constant dense<0.000000e+00> : vector<1024x128xf32>
    %dot_general3A_18 = tpu.matmul %get3A_14, %get3A_17, %dot_general3A {dimension_numbers = #tpu.dot_dimension_numbers<[1], [1], [0], [0], [0, 0, 1, 0], [], []>, transpose_lhs_hint = false} : vector<1024x128xf32>, vector<128x128xf32>, vector<1024x128xf32> -> vector<1024x128xf32>
    %mul3A = vector.broadcast %rsqrt3A : vector<1024x1xf32> to vector<1024x128xf32>
    %mul3A_19 = arith.mulf %dot_general3A_18, %mul3A : vector<1024x128xf32>
    %swap3A = arith.constant 0 : index
    %swap3A_20 = arith.constant 0 : index
    %swap3A_21 = vector.load %arg4[%swap3A, %swap3A_20] : memref<1024x128xf32, #tpu.memory_space<vmem>>, vector<1024x128xf32>
    tpu.vector_store %arg4[%swap3A, %swap3A_20], %mul3A_19 {strides = array<i32>} : memref<1024x128xf32, #tpu.memory_space<vmem>>, vector<1024x128xf32>,
    %swap3A_22 = arith.constant 0 : index
    %swap3A_23 = arith.constant 0 : index
    %swap3A_24 = vector.load %arg5[%swap3A_22, %swap3A_23] : memref<1024x1xf32, #tpu.memory_space<vmem>>, vector<1024x1xf32>
    tpu.vector_store %arg5[%swap3A_22, %swap3A_23], %rsqrt3A {strides = array<i32>} : memref<1024x1xf32, #tpu.memory_space<vmem>>, vector<1024x1xf32>,
    return
  }
  func.func @transform_0(%arg0: i32) -> (i32, i32) {
    %c0_i32 = arith.constant 0 : i32
    %c0_i32_0 = arith.constant 0 : i32
    return %arg0, %c0_i32 : i32, i32
  }
  func.func @transform_1(%arg0: i32) -> (i32, i32) {
    %c0_i32 = arith.constant 0 : i32
    %c0_i32_0 = arith.constant 0 : i32
    %c0_i32_1 = arith.constant 0 : i32
    return %c0_i32, %c0_i32_0 : i32, i32
  }
  func.func @transform_2(%arg0: i32) -> (i32, i32, i32) {
    %c0_i32 = arith.constant 0 : i32
    %c0_i32_0 = arith.constant 0 : i32
    %c0_i32_1 = arith.constant 0 : i32
    return %c0_i32, %arg0, %c0_i32_0 : i32, i32, i32
  }
  func.func @transform_3(%arg0: i32) -> (i32, i32) {
    %c0_i32 = arith.constant 0 : i32
    %c0_i32_0 = arith.constant 0 : i32
    return %arg0, %c0_i32 : i32, i32
  }
  func.func @transform_4(%arg0: i32) -> (i32, i32) {
    %c0_i32 = arith.constant 0 : i32
    %c0_i32_0 = arith.constant 0 : i32
    return %arg0, %c0_i32 : i32, i32
  }
}

module attributes {stable_mosaic.version = 14 : i64} {
  func.func @_combine_body(%arg0: i32, %arg1: memref<2x1000x128xf32, #tpu.memory_space<vmem>>, %arg2: memref<1000x128xf32, #tpu.memory_space<vmem>>, %arg3: memref<1000x1xf32, #tpu.memory_space<vmem>>, %arg4: memref<1000x128xf32, #tpu.memory_space<vmem>>) attributes {dimension_semantics = [#tpu.dimension_semantics<arbitrary>], iteration_bounds = array<i64: 10>, scalar_prefetch = 0 : i64, scratch_operands = 0 : i64, tpu.core_type = #tpu.core_type<tc>, window_params = [{transform_indices = @transform_0, window_bounds = array<i64: 2, 1000, 128>}, {transform_indices = @transform_1, window_bounds = array<i64: 1000, 128>}, {transform_indices = @transform_2, window_bounds = array<i64: 1000, 1>}, {transform_indices = @transform_3, window_bounds = array<i64: 1000, 128>}]} {
    %get3A = arith.constant 0 : index
    %get3A_0 = arith.constant 0 : index
    %get3A_1 = vector.load %arg3[%get3A, %get3A_0] : memref<1000x1xf32, #tpu.memory_space<vmem>>, vector<1000x1xf32>
    %get3A_2 = arith.constant 0 : index
    %get3A_3 = arith.constant 0 : index
    %get3A_4 = arith.constant 0 : index
    %get3A_5 = vector.load %arg1[%get3A_2, %get3A_3, %get3A_4] : memref<2x1000x128xf32, #tpu.memory_space<vmem>>, vector<1x1000x128xf32>
    %get3A_6 = vector.shape_cast %get3A_5 : vector<1x1000x128xf32> to vector<1000x128xf32>
    %get3A_7 = arith.constant 1 : index
    %get3A_8 = arith.constant 0 : index
    %get3A_9 = arith.constant 0 : index
    %get3A_10 = vector.load %arg1[%get3A_7, %get3A_8, %get3A_9] : memref<2x1000x128xf32, #tpu.memory_space<vmem>>, vector<1x1000x128xf32>
    %get3A_11 = vector.shape_cast %get3A_10 : vector<1x1000x128xf32> to vector<1000x128xf32>
    %add3A = arith.addf %get3A_6, %get3A_11 : vector<1000x128xf32>
    %get3A_12 = arith.constant 0 : index
    %get3A_13 = arith.constant 0 : index
    %get3A_14 = vector.load %arg2[%get3A_12, %get3A_13] : memref<1000x128xf32, #tpu.memory_space<vmem>>, vector<1000x128xf32>
    %add3A_15 = arith.addf %add3A, %get3A_14 : vector<1000x128xf32>
    %mul3A = vector.broadcast %get3A_1 : vector<1000x1xf32> to vector<1000x128xf32>
    %mul3A_16 = arith.mulf %mul3A, %add3A_15 : vector<1000x128xf32>
    %swap3A = arith.constant 0 : index
    %swap3A_17 = arith.constant 0 : index
    %swap3A_18 = vector.load %arg4[%swap3A, %swap3A_17] : memref<1000x128xf32, #tpu.memory_space<vmem>>, vector<1000x128xf32>
    tpu.vector_store %arg4[%swap3A, %swap3A_17], %mul3A_16 {strides = array<i32>} : memref<1000x128xf32, #tpu.memory_space<vmem>>, vector<1000x128xf32>,
    return
  }
  func.func @transform_0(%arg0: i32) -> (i32, i32, i32) {
    %c0_i32 = arith.constant 0 : i32
    %c0_i32_0 = arith.constant 0 : i32
    %c0_i32_1 = arith.constant 0 : i32
    return %c0_i32, %arg0, %c0_i32_0 : i32, i32, i32
  }
  func.func @transform_1(%arg0: i32) -> (i32, i32) {
    %c0_i32 = arith.constant 0 : i32
    %c0_i32_0 = arith.constant 0 : i32
    return %arg0, %c0_i32 : i32, i32
  }
  func.func @transform_2(%arg0: i32) -> (i32, i32) {
    %c0_i32 = arith.constant 0 : i32
    %c0_i32_0 = arith.constant 0 : i32
    return %arg0, %c0_i32 : i32, i32
  }
  func.func @transform_3(%arg0: i32) -> (i32, i32) {
    %c0_i32 = arith.constant 0 : i32
    %c0_i32_0 = arith.constant 0 : i32
    return %arg0, %c0_i32 : i32, i32
  }
}

</mosaic_0001>

<sc_bundles>
// kernel: kernel.6.cloned.1.call-start
scs
__scs_entry_jumppad:
0x0: {  	(pc) =	sbr.rel $0x88, $3  }
0x1: {  	(tag) =	ssettag $0x0;
	lr =	simm.s32 $0x1  }
0x2: {  	[smem:$0x3F9E] =	sst lr;
	_ =	strace $0xD0000000  }
0x3: {  	_ = 	snop  }
0x4: {  	_ = 	snop  }
0x5: {  	_ = 	snop  }
0x6: {  	_ = 	snop  }
0x7: {  	_ = 	snop  }
__scs_overlays_trampoline_lowered:
0x8: {  	[smem:$0x3FAD] =	sst s0  }
0x9: {  	[smem:$0x3FAE] =	sst s1  }
0xa: {  	[smem:$0x3FAF] =	sst s2  }
0xb: {  	[smem:$0x3FB0] =	sst s3  }
0xc: {  	[smem:$0x3FB1] =	sst s4  }
0xd: {  	[smem:$0x3FB2] =	sst s5  }
0xe: {  	[smem:$0x3FB3] =	sst s6  }
0xf: {  	[smem:$0x3FB4] =	sst s7  }
0x10: {  	[smem:$0x3FB5] =	sst s8  }
0x11: {  	[smem:$0x3FB6] =	sst s9;
	s0 =	simm.s32 @!p0 $0x0  }
0x12: {  	s1 =	sld [smem:$0x3F9C];
	s0 =	simm.s32 @p0 $0x1  }
0x13: {  	[smem:$0x3FB7] =	sst s0;
	s0 =	simm.s32 @!p1 $0x0  }
0x14: {  	s2 =	sld [smem:$0x3F9B];
	s0 =	simm.s32 @p1 $0x1  }
0x15: {  	[smem:$0x3FB8] =	sst s0;
	s0 =	simm.s32 @!p2 $0x0  }
0x16: {  	s3 =	sld [smem:$0x3FDB];
	s0 =	simm.s32 @p2 $0x1  }
0x17: {  	s4 =	simm.s32 $0x1BF5;
	[smem:$0x3FBA] =	sst s0  }
0x18: {  	s0 =	sld [smem:$0x3F9D];
	_ =	swait.ge [sflag:s4], $0x0  }
0x19: {  	s7 =	sld [smem:$0x3F9E]  }
0x1a: {  	s8 =	sadd.s32 $0xFFFFE003, lr  }
0x1b: {  	s9 =	sadd.s32 $0xFFFFFEF7, lr;
	s5 =	simm.s32 $0xFFFFFFFF;
	p2 =	slt.u32 s8, $0xFFFFF086  }
0x1c: {  	p1 =	slt.u32 s9, $0xF7A;
	s5 =	simm.s32 @!p2 $0x0  }
0x1d: {  	s5 =	simm.s32 @p1 $0x1;
	p0 =	seq.s32 s7, s2  }
0x1e: {  	s7 =	smul.u32 @!p0 $0xF7A, s2;
	p2 =	seq.s32 @!p0 s5, $0x0  }
0x1f: {  	s9 =	smul.u32 $0xF7A, s1;
	s8 =	simm.s32 @!p0 $0x1BF5;
	p2 =	por !p2, p0  }
0x20: {  	[sflag:s8] =	ssyncset.s32 @!p0 $0xFFFFF086;
	s6 =	sadd.s32 @!p0 s3, s7;
	s7 =	simm.s32 @!p0 $0x108  }
0x21: {  	s3 =	sadd.s32 s3, s9;
	s6 =	sadd.s32 @!p0 $0x88, s6;
	s7 =	simm.s32 @p2 $0x1082  }
0x22: {  	[simem:s7], [sflag:s8] =	dma.local @!p0 [hbm:s6], $0xF7A  }
0x23: {  	s9 =	sor.u32 $0xD0000000, s2;
	s6 =	simm.s32 $0x108;
	_ =	swait.ge @!p0 [sflag:s8], $0x0  }
0x24: {  	s3 =	sadd.s32 $0x88, s3;
	s6 =	simm.s32 @!p1 $0x1082;
	[sflag:s4] =	ssyncset.s32 $0xFFFFF086  }
0x25: {  	[simem:s6], [sflag:s4] =	dma.local [hbm:s3], $0xF7A  }
0x26: {  	[smem:$0x3F9E] =	sst s1;
	(tag) =	ssettag s2;
	_ =	strace s9  }
0x27: {  	s1 =	sld [smem:$0x3FAE]  }
0x28: {  	s2 =	sld [smem:$0x3FAF]  }
0x29: {  	s4 =	sld [smem:$0x3FB1]  }
0x2a: {  	p0 =	seq.s32 s5, $0x0;
	s5 =	sld [smem:$0x3FB2]  }
0x2b: {  	s6 =	sld [smem:$0x3FB3]  }
0x2c: {  	s7 =	sld [smem:$0x3FB4]  }
0x2d: {  	s3 =	simm.s32 $0x108;
	s8 =	sld [smem:$0x3FB5]  }
0x2e: {  	s3 =	simm.s32 @!p0 $0x1082;
	s9 =	sld [smem:$0x3FB6]  }
0x2f: {  	lr =	sadd.s32 s0, s3;
	s0 =	sld [smem:$0x3FAD]  }
0x30: {  	s3 =	sld [smem:$0x3FB0]  }
0x31: {  	[smem:$0x3FB9] =	sst s10  }
0x32: {  	s10 =	sld [smem:$0x3FB7];
	_ =	sdelay $0x3  }
0x33: {  	p0 =	seq.s32 s10, $0x1;
	s10 =	sld [smem:$0x3FB9];
	_ =	sdelay $0x3  }
0x34: {  	[smem:$0x3FB9] =	sst s10  }
0x35: {  	s10 =	sld [smem:$0x3FB8];
	_ =	sdelay $0x3  }
0x36: {  	p1 =	seq.s32 s10, $0x1;
	s10 =	sld [smem:$0x3FB9];
	_ =	sdelay $0x3  }
0x37: {  	[smem:$0x3FB9] =	sst s10  }
0x38: {  	s10 =	sld [smem:$0x3FBA]  }
0x39: {  	_ = 	snop;
	(pc) =	sbr.ind lr, $3  }
0x3a: {  	_ = 	snop  }
0x3b: {  	_ = 	snop  }
0x3c: {  	p2 =	seq.s32 s10, $0x1;
	s10 =	sld [smem:$0x3FB9]  }
0x3d: {  	_ =	shalt  }
0x3e: {  	_ =	shalt  }
0x3f: {  	_ =	shalt  }
0x40: {  	_ =	shalt  }
0x41: {  	_ =	shalt  }
0x42: {  	_ =	shalt  }
0x43: {  	_ =	shalt  }
0x44: {  	_ =	shalt  }
0x45: {  	_ =	shalt  }
0x46: {  	_ =	shalt  }
0x47: {  	_ =	shalt  }
0x48: {  	_ =	shalt  }
0x49: {  	_ =	shalt  }
0x4a: {  	_ =	shalt  }
0x4b: {  	_ =	shalt  }
0x4c: {  	_ =	shalt  }
0x4d: {  	_ =	shalt  }
0x4e: {  	_ =	shalt  }
0x4f: {  	_ =	shalt  }
0x50: {  	_ =	shalt  }
0x51: {  	_ =	shalt  }
0x52: {  	_ =	shalt  }
0x53: {  	_ =	shalt  }
0x54: {  	_ =	shalt  }
0x55: {  	_ =	shalt  }
0x56: {  	_ =	shalt  }
0x57: {  	_ =	shalt  }
0x58: {  	_ =	shalt  }
0x59: {  	_ =	shalt  }
0x5a: {  	_ =	shalt  }
0x5b: {  	_ =	shalt  }
0x5c: {  	_ =	shalt  }
0x5d: {  	_ =	shalt  }
0x5e: {  	_ =	shalt  }
0x5f: {  	_ =	shalt  }
0x60: {  	_ =	shalt  }
0x61: {  	_ =	shalt  }
0x62: {  	_ =	shalt  }
0x63: {  	_ =	shalt  }
0x64: {  	_ =	shalt  }
0x65: {  	_ =	shalt  }
0x66: {  	_ =	shalt  }
0x67: {  	_ =	shalt  }
0x68: {  	_ =	shalt  }
0x69: {  	_ =	shalt  }
0x6a: {  	_ =	shalt  }
0x6b: {  	_ =	shalt  }
0x6c: {  	_ =	shalt  }
0x6d: {  	_ =	shalt  }
0x6e: {  	_ =	shalt  }
0x6f: {  	_ =	shalt  }
0x70: {  	_ =	shalt  }
0x71: {  	_ =	shalt  }
0x72: {  	_ =	shalt  }
0x73: {  	_ =	shalt  }
0x74: {  	_ =	shalt  }
0x75: {  	_ =	shalt  }
0x76: {  	_ =	shalt  }
0x77: {  	_ =	shalt  }
0x78: {  	_ =	shalt  }
0x79: {  	_ =	shalt  }
0x7a: {  	_ =	shalt  }
0x7b: {  	_ =	shalt  }
0x7c: {  	_ =	shalt  }
0x7d: {  	_ =	shalt  }
0x7e: {  	_ =	shalt  }
0x7f: {  	_ =	shalt  }
0x80: {  	_ =	shalt  }
0x81: {  	_ =	shalt  }
0x82: {  	_ =	shalt  }
0x83: {  	_ =	shalt  }
0x84: {  	_ =	shalt  }
0x85: {  	_ =	shalt  }
0x86: {  	_ =	shalt  }
0x87: {  	_ =	shalt  }
.Lfunc_end0:
.L_simem_size_0:
called_computation_lowered:
.L_overlay_start_0:
0x88: {  	s2 =	sld [smem:$0x3FD9]  }
0x89: {  	s3 =	sld [smem:$0x3FFE];
	_ =	sdelay $0x1  }
0x8a: {  	s1 =	srdreg.scid  }
0x8b: {  	s0 =	sand.u32 $0x1, s1  }
0x8c: {  	s17 =	sshll.u32 s0, $0xA;
	s2 =	sadd.s32 s3, s2  }
0x8d: {  	s2 =	sadd.s32 s2, s17  }
0x8e: {  	[smem:$0x3FC5] =	sst s2  }
0x8f: {  	_ = 	snop  }
0x90: {  	s2 =	sld [smem:$0x3FD0];
	(tm) =	ssettm $0x1  }
0x91: {  	s18 =	sld [smem:$0x3FFB];
	_ =	sdelay $0x3  }
0x92: {  	_ =	strace s18  }
0x93: {  	s3 =	sld [smem:$0x3FFC];
	_ =	sdelay $0x3  }
0x94: {  	_ =	strace s3  }
0x95: {  	s3 =	sld [smem:$0x3FFD];
	_ =	sdelay $0x3  }
0x96: {  	_ =	strace s3  }
0x97: {  	_ =	strace $0x8FFFFFFF  }
0x98: {  	s19 =	sld [smem:$0x3FDB];
	_ =	sdelay $0x1  }
0x99: {  	s4 =	simm.s32 $_scs_section_size  }
0x9a: {  	s5 =	simm.s32 $_size__tile_overlayer_lowered;
	s6 =	simm.s32 $_tile_overlayer_lowered  }
0x9b: {  	s22 =	simm.s32 $0x1BFF;
	s21 =	sshll.u32 s6, $0x1;
	s3 =	sadd.s32 s4, s19  }
0x9c: {  	s7 =	simm.s32 $0x0;
	s20 =	sshll.u32 s5, $0x1;
	s5 =	sadd.s32 s21, s3  }
0x9d: {  	[timem:s7], [sflag:s22] =	dma.local [hbm:s5], s20  }
0x9e: {  	_ =	swait.ge [sflag:s22], s20  }
0x9f: {  	s4 =	ssub.s32 $0x0, s20;
	[sflag:s22] =	ssyncset.done $0x0  }
0xa0: {  	[sflag:s22] =	ssyncadd.s32 s4;
	_ =	sdelay $0x1  }
0xa1: {  	s23 =	simm.s32 $0x1B8B  }
0xa2: {  	_ =	swait.ge [sflag:s23], $0x1  }
0xa3: {  	[sflag:s23] =	ssyncset.done $0x0  }
0xa4: {  	s25 =	simm.s32 $0x1B8E;
	s24 =	sld [smem:$0x3FFE];
	[sflag:s23] =	ssyncadd.s32 $0xFFFFFFFF  }
0xa5: {  	s26 =	simm.s32 $execute0_lowered;
	[smem:$0x3FD2] =	sst s25  }
0xa6: {  	s5 =	sshll.u32 s26, $0x1;
	_ =	strace $0x80000046;
	[dreg:$0x1] =	wrdreg $0xFFFFFFFF  }
0xa7: {  	s28 =	simm.s32 $_size_execute0_lowered;
	s3 =	sadd.s32 s3, s5;
	[dreg:$0x0] =	wrdreg $0x0  }
0xa8: {  	s5 =	sshll.u32 s28, $0x1;
	[dreg:$0x2] =	wrdreg s3  }
0xa9: {  	[dreg:$0x3] =	wrdreg s5  }
0xaa: {  	[dreg:$0x4] =	wrdreg $0xC0  }
0xab: {  	_ =	task [dreg:s7], $0x5FFFF  }
0xac: {  	[dreg:$0x1] =	wrdreg $0xFFFFFFFF  }
0xad: {  	[dreg:$0x0] =	wrdreg $0x60  }
0xae: {  	[dreg:$0x2] =	wrdreg s2  }
0xaf: {  	[dreg:$0x3] =	wrdreg s24  }
0xb0: {  	[dreg:$0x4] =	wrdreg $0x28800  }
0xb1: {  	[dreg:$0x5] =	wrdreg $0x9  }
0xb2: {  	_ =	task.clear_ibuf [dreg:s7], $0x6FFFF;
	_ =	strace $0x90000046  }
0xb3: {  	s29 =	simm.s32 $0x9;
	_ =	strace $0x80000048  }
0xb4: {  	_ =	swait.ge [sflag:s29], $0x1  }
0xb5: {  	[sflag:s29] =	ssyncadd.s32 $0xFFFFFFFF  }
0xb6: {  	_ =	strace $0x90000048  }
0xb7: {  	_ =	sfence  }
0xb8: {  	s30 =	sld [smem:$0x0];
	_ =	sdelay $0x2  }
0xb9: {  	s31 =	sshll.u32 s1, $0xD;
	s1 =	sshrl.u32 s1, $0x2  }
0xba: {  	s3 =	sand.u32 $0x4000, s31;
	s1 =	sadd.s32 s1, s30  }
0xbb: {  	s0 =	sor.u32 s3, s0;
	s1 =	sshll.u32 s1, $0x11  }
0xbc: {  	s0 =	sor.u32 s1, s0  }
0xbd: {  	s0 =	sadd.s32 $0x8F2B, s0  }
0xbe: {  	[sflag:s0] =	ssyncadd.remote.s32 $0x1  }
0xbf: {  	_ =	sfence.sel $0xFFFF  }
0xc0: {  	[dreg:$0x0] =	wrdreg $0xFFFFFFFF;
	(pc) =	sbr.abs _section_cstart, $3  }
0xc1: {  	[dreg:$0x1] =	wrdreg $0xFFFFFFFF  }
0xc2: {  	_ =	task.clear_ibuf [dreg:s7], $0x2FFFF;
	_ =	strace $0x9FFFFFFF  }
0xc3: {  	(tm) =	ssettm $0x7FFFFFFF  }
tec
execute0_lowered:
.L_overlay_start_1:
0x0: {  	(tag) =	ssettag $0x1  }
0x1: {  	s6 =	rddreg [dreg:$0x0]  }
0x2: {  	s5 =	rddreg [dreg:$0x1]  }
0x3: {  	s2 =	rddreg [dreg:$0x2]  }
0x4: {  	s0 =	rddreg [dreg:$0x3]  }
0x5: {  	s4 =	srdreg.scid;
	s1 =	stileid.u32;
	s3 =	simm.s32 $0x0  }
0x6: {  	s12 =	simm.s32 $0x2800;
	s13 =	simm.s32 $0x20;
	s14 =	simm.s32 $0x10  }
0x7: {  	s15 =	simm.s32 $0x0;
	s7 =	sand.u32 $0x1, s4;
	s26 =	smul.u32 $0x500, s1  }
0x8: {  	[smem:$0x7FF] =	sst s3;
	s4 =	sadd.s32 $0x1C00, s5;
	s9 =	sshll.u32 s1, $0x1  }
0x9: {  	s11 =	smul.u32 $0xA00, s1;
	s31 =	sshll.u32 s1, $0x6;
	s8 =	sshll.u32 s7, $0x7  }
0xa: {  	_ =	strace $0x80000047;
	s10 =	ssub.s32 $0x2, s7;
	s7 =	sor.u32 s7, s9  }
0xb: {  	s8 =	sor.u32 s8, s26;
	s28 =	sshrl.u32 s10, $0x1;
	s7 =	smul.u32 $0x500, s7  }
0xc: {  	s30 =	sshrl.u32 s11, $0x2;
	s8 =	sshrl.u32 s8, $0x3;
	s29 =	ssub.s32 s10, s28  }
0xd: {  	s11 =	sadd.s32 s30, s2;
	s10 =	simm.s32 $0x1;
	s8 =	sadd.s32 s8, s5  }
0xe: {  	s5 =	sor.u32 $0x1C01, s31;
	s6 =	sadd.s32 s6, s7;
	s9 =	sshrl.u32 s11, $0x3  }
0xf: {  	v0 =	vimm.f32 $1.000000000e+00;
	s11 =	simm.s32 $0x80;
	s7 =	sadd.s32 $0x1E00, s8;
	s8 =	smax.u32 s29, $0x1  }
.LBB2_1:
0x10: {  	[tilespmem:$0x2800] =	vst v0  }
0x11: {  	[tilespmem:$0x2810] =	vst v0  }
0x12: {  	[tilespmem:$0x2820] =	vst v0  }
0x13: {  	[tilespmem:$0x2830] =	vst v0  }
0x14: {  	[tilespmem:$0x2840] =	vst v0  }
0x15: {  	[tilespmem:$0x2850] =	vst v0  }
0x16: {  	[tilespmem:$0x2860] =	vst v0  }
0x17: {  	[tilespmem:$0x2870] =	vst v0  }
0x18: {  	[spmem:s9], [sflag:s5] =	dma.local [hbm:s4], $0x50  }
0x19: {  	_ =	swait.ge [sflag:s10], $0x50  }
0x1a: {  	[sflag:s10] =	ssyncset.done $0x0  }
0x1b: {  	[sflag:s10] =	ssyncadd.s32 $0xFFFFFFB0  }
0x1c: {  	[tilespmem:s3], [sflag:$0x1] =	stream.linear.gather [hbm4b:s6+s3], $0x2800, $0x38;
	[tilespmem:$0x2B00] =	vst v63  }
0x1d: {  	_ =	swait.ge [sflag:s10], $0x2800  }
0x1e: {  	[sflag:s10] =	ssyncset.done $0x0  }
0x1f: {  	[sflag:s10] =	ssyncadd.s32 $0xFFFFD800  }
0x20: {  	s16 =	simm.s32 $0x0;
	[bflag:$0x0] =	sbarrier.arrive $0xFFFF  }
0x21: {  	[spmem:s2] =	stream.indirect.scatter.add.f32 [tilespmem:s12], [sflag:$0x1], $0x1, s16, s11, $0xb8;
	[tilespmem:$0x2B00] =	vst v63  }
0x22: {  	_ =	swait.ge [sflag:s10], $0x80  }
0x23: {  	s16 =	simm.s32 $0x200;
	[sflag:s10] =	ssyncset.done $0x0  }
.LBB2_2:
0x24: {  	s17 =	sshra.s32 s16, $0x2;
	[sflag:s10] =	ssyncadd.s32 $0xFFFFFF80;
	p0 =	sne.s32 s16, $0x9E00  }
0x25: {  	[spmem:s2] =	stream.indirect.scatter.add.f32 [tilespmem:s12], [sflag:$0x1], $0x1, s17, s11, $0xb8;
	[tilespmem:$0x2B00] =	vst v63  }
.Ltmp0:
0x26: {  	_ = 	snop;
	(pc) =	sbr.rel @p0 .LBB2_2-.Ltmp0, $4  }
0x27: {  	_ = 	snop  }
0x28: {  	s16 =	sadd.s32 $0x200, s16  }
0x29: {  	_ =	swait.ge [sflag:s10], $0x80  }
0x2a: {  	[sflag:s10] =	ssyncset.done $0x0  }
0x2b: {  	s15 =	sadd.s32 $0x1, s15  }
0x2c: {  	[sflag:s10] =	ssyncadd.s32 $0xFFFFFF80;
	p0 =	sne.s32 s15, s8  }
.Ltmp1:
0x2d: {  	[bflag:$0x0] =	sbarrier.arrive $0xFFFF;
	(pc) =	sbr.rel @p0 .LBB2_1-.Ltmp1, $4  }
0x2e: {  	[hbm:s7@s13], [sflag:s5] =	dma.strided [spmem:s9@s14], $0x50, s10, $0x10   }
0x2f: {  	_ =	swait.ge [sflag:s10], $0x50  }
0x30: {  	[sflag:s10] =	ssyncset.done $0x0  }
0x31: {  	[sflag:s10] =	ssyncadd.s32 $0xFFFFFFB0  }
0x32: {  	_ =	sfence.sel $0x180000  }
0x33: {  	[bflag:$0x0] =	sbarrier.arrive $0xFFFF  }
0x34: {  	p0 =	sne.s32 s1, $0x0;
	_ =	strace $0x90000047  }
0x35: {  	s0 =	sadd.s32 @!p0 $0x100000, s0;
	[bflag:$0x2] =	sbarrier.arrive $0xFFFF  }
0x36: {  	[sflag:s0] =	ssyncadd.tile.s32 @!p0 $0x1;
	_ =	shalt  }
.Lfunc_end2:
_tile_overlayer_lowered:
.L_overlay_start_2:
0x37: {  	(tag) =	ssettag $0x2  }
0x38: {  	s0 =	rddreg [dreg:$0x0];
	s2 =	stileid.u32  }
0x39: {  	s1 =	rddreg [dreg:$0x1];
	p0 =	sne.s32 s2, $0x0  }
0x3a: {  	s3 =	rddreg [dreg:$0x2];
	[bflag:$0x3] =	sbarrier.arrive $0xFFFF;
	s2 =	simm.s32 @!p0 $0x1C01  }
0x3b: {  	[timem:s3], [sflag:s2] =	dma.local @!p0 [hbm:s0], s1  }
0x3c: {  	s0 =	simm.s32 @!p0 $0x1  }
0x3d: {  	_ =	swait.ge @!p0 [sflag:s0], s1  }
0x3e: {  	s1 =	ssub.s32 @!p0 $0x0, s1;
	[sflag:s0] =	ssyncset.done @!p0 $0x0  }
0x3f: {  	[sflag:s0] =	ssyncadd.s32 @!p0 s1  }
0x40: {  	[bflag:$0x3] =	sbarrier.arrive $0xFFFF  }
0x41: {  	_ =	shalt  }

// kernel: kernel.9.cloned.1.call-start
scs
__scs_entry_jumppad:
0x0: {  	(pc) =	sbr.rel $0x88, $3  }
0x1: {  	(tag) =	ssettag $0x0;
	lr =	simm.s32 $0x1  }
0x2: {  	[smem:$0x3F9E] =	sst lr;
	_ =	strace $0xD0000000  }
0x3: {  	_ = 	snop  }
0x4: {  	_ = 	snop  }
0x5: {  	_ = 	snop  }
0x6: {  	_ = 	snop  }
0x7: {  	_ = 	snop  }
__scs_overlays_trampoline_lowered:
0x8: {  	[smem:$0x3FAD] =	sst s0  }
0x9: {  	[smem:$0x3FAE] =	sst s1  }
0xa: {  	[smem:$0x3FAF] =	sst s2  }
0xb: {  	[smem:$0x3FB0] =	sst s3  }
0xc: {  	[smem:$0x3FB1] =	sst s4  }
0xd: {  	[smem:$0x3FB2] =	sst s5  }
0xe: {  	[smem:$0x3FB3] =	sst s6  }
0xf: {  	[smem:$0x3FB4] =	sst s7  }
0x10: {  	[smem:$0x3FB5] =	sst s8  }
0x11: {  	[smem:$0x3FB6] =	sst s9;
	s0 =	simm.s32 @!p0 $0x0  }
0x12: {  	s1 =	sld [smem:$0x3F9C];
	s0 =	simm.s32 @p0 $0x1  }
0x13: {  	[smem:$0x3FB7] =	sst s0;
	s0 =	simm.s32 @!p1 $0x0  }
0x14: {  	s2 =	sld [smem:$0x3F9B];
	s0 =	simm.s32 @p1 $0x1  }
0x15: {  	[smem:$0x3FB8] =	sst s0;
	s0 =	simm.s32 @!p2 $0x0  }
0x16: {  	s3 =	sld [smem:$0x3FDB];
	s0 =	simm.s32 @p2 $0x1  }
0x17: {  	s4 =	simm.s32 $0x1BF5;
	[smem:$0x3FBA] =	sst s0  }
0x18: {  	s0 =	sld [smem:$0x3F9D];
	_ =	swait.ge [sflag:s4], $0x0  }
0x19: {  	s7 =	sld [smem:$0x3F9E]  }
0x1a: {  	s8 =	sadd.s32 $0xFFFFE003, lr  }
0x1b: {  	s9 =	sadd.s32 $0xFFFFFEF7, lr;
	s5 =	simm.s32 $0xFFFFFFFF;
	p2 =	slt.u32 s8, $0xFFFFF086  }
0x1c: {  	p1 =	slt.u32 s9, $0xF7A;
	s5 =	simm.s32 @!p2 $0x0  }
0x1d: {  	s5 =	simm.s32 @p1 $0x1;
	p0 =	seq.s32 s7, s2  }
0x1e: {  	s7 =	smul.u32 @!p0 $0xF7A, s2;
	p2 =	seq.s32 @!p0 s5, $0x0  }
0x1f: {  	s9 =	smul.u32 $0xF7A, s1;
	s8 =	simm.s32 @!p0 $0x1BF5;
	p2 =	por !p2, p0  }
0x20: {  	[sflag:s8] =	ssyncset.s32 @!p0 $0xFFFFF086;
	s6 =	sadd.s32 @!p0 s3, s7;
	s7 =	simm.s32 @!p0 $0x108  }
0x21: {  	s3 =	sadd.s32 s3, s9;
	s6 =	sadd.s32 @!p0 $0x88, s6;
	s7 =	simm.s32 @p2 $0x1082  }
0x22: {  	[simem:s7], [sflag:s8] =	dma.local @!p0 [hbm:s6], $0xF7A  }
0x23: {  	s9 =	sor.u32 $0xD0000000, s2;
	s6 =	simm.s32 $0x108;
	_ =	swait.ge @!p0 [sflag:s8], $0x0  }
0x24: {  	s3 =	sadd.s32 $0x88, s3;
	s6 =	simm.s32 @!p1 $0x1082;
	[sflag:s4] =	ssyncset.s32 $0xFFFFF086  }
0x25: {  	[simem:s6], [sflag:s4] =	dma.local [hbm:s3], $0xF7A  }
0x26: {  	[smem:$0x3F9E] =	sst s1;
	(tag) =	ssettag s2;
	_ =	strace s9  }
0x27: {  	s1 =	sld [smem:$0x3FAE]  }
0x28: {  	s2 =	sld [smem:$0x3FAF]  }
0x29: {  	s4 =	sld [smem:$0x3FB1]  }
0x2a: {  	p0 =	seq.s32 s5, $0x0;
	s5 =	sld [smem:$0x3FB2]  }
0x2b: {  	s6 =	sld [smem:$0x3FB3]  }
0x2c: {  	s7 =	sld [smem:$0x3FB4]  }
0x2d: {  	s3 =	simm.s32 $0x108;
	s8 =	sld [smem:$0x3FB5]  }
0x2e: {  	s3 =	simm.s32 @!p0 $0x1082;
	s9 =	sld [smem:$0x3FB6]  }
0x2f: {  	lr =	sadd.s32 s0, s3;
	s0 =	sld [smem:$0x3FAD]  }
0x30: {  	s3 =	sld [smem:$0x3FB0]  }
0x31: {  	[smem:$0x3FB9] =	sst s10  }
0x32: {  	s10 =	sld [smem:$0x3FB7];
	_ =	sdelay $0x3  }
0x33: {  	p0 =	seq.s32 s10, $0x1;
	s10 =	sld [smem:$0x3FB9];
	_ =	sdelay $0x3  }
0x34: {  	[smem:$0x3FB9] =	sst s10  }
0x35: {  	s10 =	sld [smem:$0x3FB8];
	_ =	sdelay $0x3  }
0x36: {  	p1 =	seq.s32 s10, $0x1;
	s10 =	sld [smem:$0x3FB9];
	_ =	sdelay $0x3  }
0x37: {  	[smem:$0x3FB9] =	sst s10  }
0x38: {  	s10 =	sld [smem:$0x3FBA]  }
0x39: {  	_ = 	snop;
	(pc) =	sbr.ind lr, $3  }
0x3a: {  	_ = 	snop  }
0x3b: {  	_ = 	snop  }
0x3c: {  	p2 =	seq.s32 s10, $0x1;
	s10 =	sld [smem:$0x3FB9]  }
0x3d: {  	_ =	shalt  }
0x3e: {  	_ =	shalt  }
0x3f: {  	_ =	shalt  }
0x40: {  	_ =	shalt  }
0x41: {  	_ =	shalt  }
0x42: {  	_ =	shalt  }
0x43: {  	_ =	shalt  }
0x44: {  	_ =	shalt  }
0x45: {  	_ =	shalt  }
0x46: {  	_ =	shalt  }
0x47: {  	_ =	shalt  }
0x48: {  	_ =	shalt  }
0x49: {  	_ =	shalt  }
0x4a: {  	_ =	shalt  }
0x4b: {  	_ =	shalt  }
0x4c: {  	_ =	shalt  }
0x4d: {  	_ =	shalt  }
0x4e: {  	_ =	shalt  }
0x4f: {  	_ =	shalt  }
0x50: {  	_ =	shalt  }
0x51: {  	_ =	shalt  }
0x52: {  	_ =	shalt  }
0x53: {  	_ =	shalt  }
0x54: {  	_ =	shalt  }
0x55: {  	_ =	shalt  }
0x56: {  	_ =	shalt  }
0x57: {  	_ =	shalt  }
0x58: {  	_ =	shalt  }
0x59: {  	_ =	shalt  }
0x5a: {  	_ =	shalt  }
0x5b: {  	_ =	shalt  }
0x5c: {  	_ =	shalt  }
0x5d: {  	_ =	shalt  }
0x5e: {  	_ =	shalt  }
0x5f: {  	_ =	shalt  }
0x60: {  	_ =	shalt  }
0x61: {  	_ =	shalt  }
0x62: {  	_ =	shalt  }
0x63: {  	_ =	shalt  }
0x64: {  	_ =	shalt  }
0x65: {  	_ =	shalt  }
0x66: {  	_ =	shalt  }
0x67: {  	_ =	shalt  }
0x68: {  	_ =	shalt  }
0x69: {  	_ =	shalt  }
0x6a: {  	_ =	shalt  }
0x6b: {  	_ =	shalt  }
0x6c: {  	_ =	shalt  }
0x6d: {  	_ =	shalt  }
0x6e: {  	_ =	shalt  }
0x6f: {  	_ =	shalt  }
0x70: {  	_ =	shalt  }
0x71: {  	_ =	shalt  }
0x72: {  	_ =	shalt  }
0x73: {  	_ =	shalt  }
0x74: {  	_ =	shalt  }
0x75: {  	_ =	shalt  }
0x76: {  	_ =	shalt  }
0x77: {  	_ =	shalt  }
0x78: {  	_ =	shalt  }
0x79: {  	_ =	shalt  }
0x7a: {  	_ =	shalt  }
0x7b: {  	_ =	shalt  }
0x7c: {  	_ =	shalt  }
0x7d: {  	_ =	shalt  }
0x7e: {  	_ =	shalt  }
0x7f: {  	_ =	shalt  }
0x80: {  	_ =	shalt  }
0x81: {  	_ =	shalt  }
0x82: {  	_ =	shalt  }
0x83: {  	_ =	shalt  }
0x84: {  	_ =	shalt  }
0x85: {  	_ =	shalt  }
0x86: {  	_ =	shalt  }
0x87: {  	_ =	shalt  }
.Lfunc_end0:
.L_simem_size_0:
called_computation.1_lowered:
.L_overlay_start_0:
0x88: {  	s2 =	sld [smem:$0x3FD9]  }
0x89: {  	s3 =	sld [smem:$0x3FFE];
	_ =	sdelay $0x1  }
0x8a: {  	s1 =	srdreg.scid  }
0x8b: {  	s0 =	sand.u32 $0x1, s1  }
0x8c: {  	s17 =	sshll.u32 s0, $0xA;
	s2 =	sadd.s32 s3, s2  }
0x8d: {  	s2 =	sadd.s32 s2, s17  }
0x8e: {  	[smem:$0x3FC5] =	sst s2  }
0x8f: {  	_ = 	snop  }
0x90: {  	s2 =	sld [smem:$0x3FD0];
	(tm) =	ssettm $0x1  }
0x91: {  	s18 =	sld [smem:$0x3FFB];
	_ =	sdelay $0x3  }
0x92: {  	_ =	strace s18  }
0x93: {  	s3 =	sld [smem:$0x3FFC];
	_ =	sdelay $0x3  }
0x94: {  	_ =	strace s3  }
0x95: {  	s3 =	sld [smem:$0x3FFD];
	_ =	sdelay $0x3  }
0x96: {  	_ =	strace s3  }
0x97: {  	_ =	strace $0x8FFFFFFF  }
0x98: {  	s19 =	sld [smem:$0x3FDB];
	_ =	sdelay $0x1  }
0x99: {  	s4 =	simm.s32 $_scs_section_size  }
0x9a: {  	s5 =	simm.s32 $_size__tile_overlayer_lowered;
	s6 =	simm.s32 $_tile_overlayer_lowered  }
0x9b: {  	s22 =	simm.s32 $0x1BFF;
	s21 =	sshll.u32 s6, $0x1;
	s3 =	sadd.s32 s4, s19  }
0x9c: {  	s7 =	simm.s32 $0x0;
	s20 =	sshll.u32 s5, $0x1;
	s5 =	sadd.s32 s21, s3  }
0x9d: {  	[timem:s7], [sflag:s22] =	dma.local [hbm:s5], s20  }
0x9e: {  	_ =	swait.ge [sflag:s22], s20  }
0x9f: {  	s4 =	ssub.s32 $0x0, s20;
	[sflag:s22] =	ssyncset.done $0x0  }
0xa0: {  	[sflag:s22] =	ssyncadd.s32 s4;
	_ =	sdelay $0x1  }
0xa1: {  	s23 =	simm.s32 $0x1B8B  }
0xa2: {  	_ =	swait.ge [sflag:s23], $0x1  }
0xa3: {  	[sflag:s23] =	ssyncset.done $0x0  }
0xa4: {  	s25 =	simm.s32 $0x1B8E;
	s24 =	sld [smem:$0x3FFE];
	[sflag:s23] =	ssyncadd.s32 $0xFFFFFFFF  }
0xa5: {  	s26 =	simm.s32 $execute0_lowered;
	[smem:$0x3FD2] =	sst s25  }
0xa6: {  	s5 =	sshll.u32 s26, $0x1;
	_ =	strace $0x80000049;
	[dreg:$0x1] =	wrdreg $0xFFFFFFFF  }
0xa7: {  	s28 =	simm.s32 $_size_execute0_lowered;
	s3 =	sadd.s32 s3, s5;
	[dreg:$0x0] =	wrdreg $0x0  }
0xa8: {  	s5 =	sshll.u32 s28, $0x1;
	[dreg:$0x2] =	wrdreg s3  }
0xa9: {  	[dreg:$0x3] =	wrdreg s5  }
0xaa: {  	[dreg:$0x4] =	wrdreg $0xC0  }
0xab: {  	_ =	task [dreg:s7], $0x5FFFF  }
0xac: {  	[dreg:$0x1] =	wrdreg $0xFFFFFFFF  }
0xad: {  	[dreg:$0x0] =	wrdreg $0x60  }
0xae: {  	[dreg:$0x2] =	wrdreg s24  }
0xaf: {  	[dreg:$0x3] =	wrdreg s2  }
0xb0: {  	[dreg:$0x4] =	wrdreg $0xAA000  }
0xb1: {  	[dreg:$0x5] =	wrdreg $0x9  }
0xb2: {  	_ =	task.clear_ibuf [dreg:s7], $0x6FFFF;
	_ =	strace $0x90000049  }
0xb3: {  	s29 =	simm.s32 $0x9;
	_ =	strace $0x8000004B  }
0xb4: {  	_ =	swait.ge [sflag:s29], $0x1  }
0xb5: {  	[sflag:s29] =	ssyncadd.s32 $0xFFFFFFFF  }
0xb6: {  	_ =	strace $0x9000004B  }
0xb7: {  	_ =	sfence  }
0xb8: {  	s30 =	sld [smem:$0x0];
	_ =	sdelay $0x2  }
0xb9: {  	s31 =	sshll.u32 s1, $0xD;
	s1 =	sshrl.u32 s1, $0x2  }
0xba: {  	s3 =	sand.u32 $0x4000, s31;
	s1 =	sadd.s32 s1, s30  }
0xbb: {  	s0 =	sor.u32 s3, s0;
	s1 =	sshll.u32 s1, $0x11  }
0xbc: {  	s0 =	sor.u32 s1, s0  }
0xbd: {  	s0 =	sadd.s32 $0x8F2B, s0  }
0xbe: {  	[sflag:s0] =	ssyncadd.remote.s32 $0x1  }
0xbf: {  	_ =	sfence.sel $0xFFFF  }
0xc0: {  	[dreg:$0x0] =	wrdreg $0xFFFFFFFF;
	(pc) =	sbr.abs _section_cstart, $3  }
0xc1: {  	[dreg:$0x1] =	wrdreg $0xFFFFFFFF  }
0xc2: {  	_ =	task.clear_ibuf [dreg:s7], $0x2FFFF;
	_ =	strace $0x9FFFFFFF  }
0xc3: {  	(tm) =	ssettm $0x7FFFFFFF  }
tec
execute0_lowered:
.L_overlay_start_1:
0x0: {  	(tag) =	ssettag $0x1  }
0x1: {  	s6 =	rddreg [dreg:$0x0]  }
0x2: {  	s1 =	rddreg [dreg:$0x1]  }
0x3: {  	s3 =	rddreg [dreg:$0x2];
	s2 =	srdreg.scid  }
0x4: {  	s0 =	rddreg [dreg:$0x3];
	s4 =	simm.s32 $0x0;
	s13 =	simm.s32 $0x2900  }
0x5: {  	s14 =	simm.s32 $0x2A00;
	s15 =	simm.s32 $0x2980;
	s16 =	simm.s32 $0x6A00  }
0x6: {  	s17 =	simm.s32 $0x1;
	s18 =	simm.s32 $0x2800;
	s19 =	simm.s32 $0x2  }
0x7: {  	s20 =	simm.s32 $0x2880;
	s7 =	sand.u32 $0x1, s2;
	s2 =	stileid.u32  }
0x8: {  	s21 =	simm.s32 $0x0;
	[smem:$0x7FF] =	sst s4;
	s5 =	smul.u32 $0x140000, s7  }
0x9: {  	s8 =	sshll.u32 s2, $0x1;
	s9 =	smul.u32 $0x14000, s2;
	_ =	strace $0x8000004A  }
0xa: {  	s10 =	smul.u32 $0x50000, s2;
	s31 =	ssub.s32 $0x2, s7;
	s8 =	sor.u32 s7, s8  }
0xb: {  	s11 =	sshll.u32 s2, $0x6;
	s7 =	sshrl.u32 s31, $0x1;
	s8 =	smul.u32 $0x500, s8  }
0xc: {  	s9 =	sadd.s32 s9, s5;
	s5 =	sadd.s32 $0xC800, s6;
	s10 =	sshrl.u32 s10, $0x2  }
0xd: {  	s12 =	ssub.s32 s31, s7;
	s9 =	sshrl.u32 s9, $0x3;
	s10 =	sadd.s32 s10, s3  }
0xe: {  	s8 =	sadd.s32 s8, s6;
	s9 =	sadd.s32 s9, s6;
	s6 =	sor.u32 $0x1C03, s11  }
0xf: {  	s10 =	sshrl.u32 s10, $0x3;
	s11 =	simm.s32 $0x3;
	s7 =	sadd.s32 $0x2800, s8  }
0x10: {  	s8 =	sadd.s32 $0x34800, s9;
	s9 =	smax.u32 s12, $0x1;
	s12 =	simm.s32 $0x80  }
.LBB2_1:
0x11: {  	[spmem:s10], [sflag:s6] =	dma.local [hbm:s1], $0x2800  }
0x12: {  	_ =	swait.ge [sflag:s11], $0x2800  }
0x13: {  	[sflag:s11] =	ssyncset.done $0x0  }
0x14: {  	[sflag:s11] =	ssyncadd.s32 $0xFFFFD800  }
0x15: {  	[tilespmem:s4], [sflag:$0x3] =	stream.linear.gather [hbm4b:s7+s4], $0x2800, $0x38;
	[tilespmem:$0x1EA00] =	vst v63  }
0x16: {  	_ =	swait.ge [sflag:s11], $0x2800  }
0x17: {  	[sflag:s11] =	ssyncset.done $0x0  }
0x18: {  	[sflag:s11] =	ssyncadd.s32 $0xFFFFD800  }
0x19: {  	[bflag:$0x0] =	sbarrier.arrive $0xFFFF  }
0x1a: {  	v0 =	vld [tilespmem:$0x0];
	_ =	sdelay $0x1  }
0x1b: {  	v1 =	vld [tilespmem:$0x10];
	_ =	sdelay $0x1  }
0x1c: {  	v2 =	vld [tilespmem:$0x20]  }
0x1d: {  	v3 =	vshrl.u32 v0, $0xE  }
0x1e: {  	v6 =	vld [tilespmem:$0x30];
	v0 =	vand.u32 $0x3FFF, v0;
	[tilespmem:$0x2800] =	vst v3  }
0x1f: {  	v7 =	vshrl.u32 v1, $0xE;
	[tilespmem:$0x2900] =	vst v0  }
0x20: {  	v9 =	vld [tilespmem:$0x40];
	v8 =	vand.u32 $0x3FFF, v1;
	[tilespmem:$0x2810] =	vst v7  }
0x21: {  	v10 =	vshrl.u32 v2, $0xE;
	[tilespmem:$0x2910] =	vst v8  }
0x22: {  	v12 =	vld [tilespmem:$0x50];
	v11 =	vand.u32 $0x3FFF, v2;
	[tilespmem:$0x2820] =	vst v10  }
0x23: {  	v13 =	vshrl.u32 v6, $0xE;
	[tilespmem:$0x2920] =	vst v11  }
0x24: {  	v15 =	vld [tilespmem:$0x60];
	v14 =	vand.u32 $0x3FFF, v6;
	[tilespmem:$0x2830] =	vst v13  }
0x25: {  	v16 =	vshrl.u32 v9, $0xE;
	[tilespmem:$0x2930] =	vst v14  }
0x26: {  	v18 =	vld [tilespmem:$0x70];
	v17 =	vand.u32 $0x3FFF, v9;
	[tilespmem:$0x2840] =	vst v16  }
0x27: {  	v19 =	vshrl.u32 v12, $0xE;
	[tilespmem:$0x2940] =	vst v17  }
0x28: {  	v20 =	vand.u32 $0x3FFF, v12;
	[tilespmem:$0x2850] =	vst v19  }
0x29: {  	v21 =	vshrl.u32 v15, $0xE;
	[tilespmem:$0x2950] =	vst v20  }
0x2a: {  	v22 =	vand.u32 $0x3FFF, v15;
	[tilespmem:$0x2860] =	vst v21  }
0x2b: {  	v23 =	vshrl.u32 v18, $0xE;
	[tilespmem:$0x2960] =	vst v22  }
0x2c: {  	v24 =	vand.u32 $0x3FFF, v18;
	[tilespmem:$0x2870] =	vst v23  }
0x2d: {  	[tilespmem:$0x2970] =	vst v24  }
0x2e: {  	[tilespmem:s14], [sflag:$0x1] =	stream.indirect.gather [hbm4b:s5+s12], $0x80, s13, s12, $0xb8;
	[tilespmem:$0x1EA00] =	vst v63  }
0x2f: {  	v25 =	vld [tilespmem:$0x80];
	_ =	sdelay $0x1  }
0x30: {  	v26 =	vld [tilespmem:$0x90];
	_ =	sdelay $0x1  }
0x31: {  	v27 =	vld [tilespmem:$0xA0]  }
0x32: {  	v28 =	vshrl.u32 v25, $0xE  }
0x33: {  	v29 =	vld [tilespmem:$0xB0];
	v0 =	vand.u32 $0x3FFF, v25;
	[tilespmem:$0x2880] =	vst v28  }
0x34: {  	v30 =	vshrl.u32 v26, $0xE;
	[tilespmem:$0x2980] =	vst v0  }
0x35: {  	v32 =	vld [tilespmem:$0xC0];
	v31 =	vand.u32 $0x3FFF, v26;
	[tilespmem:$0x2890] =	vst v30  }
0x36: {  	v33 =	vshrl.u32 v27, $0xE;
	[tilespmem:$0x2990] =	vst v31  }
0x37: {  	v35 =	vld [tilespmem:$0xD0];
	v34 =	vand.u32 $0x3FFF, v27;
	[tilespmem:$0x28A0] =	vst v33  }
0x38: {  	v36 =	vshrl.u32 v29, $0xE;
	[tilespmem:$0x29A0] =	vst v34  }
0x39: {  	v38 =	vld [tilespmem:$0xE0];
	v37 =	vand.u32 $0x3FFF, v29;
	[tilespmem:$0x28B0] =	vst v36  }
0x3a: {  	v39 =	vshrl.u32 v32, $0xE;
	[tilespmem:$0x29B0] =	vst v37  }
0x3b: {  	v41 =	vld [tilespmem:$0xF0];
	v40 =	vand.u32 $0x3FFF, v32;
	[tilespmem:$0x28C0] =	vst v39  }
0x3c: {  	v42 =	vshrl.u32 v35, $0xE;
	[tilespmem:$0x29C0] =	vst v40  }
0x3d: {  	v43 =	vand.u32 $0x3FFF, v35;
	[tilespmem:$0x28D0] =	vst v42  }
0x3e: {  	v44 =	vshrl.u32 v38, $0xE;
	[tilespmem:$0x29D0] =	vst v43  }
0x3f: {  	v45 =	vand.u32 $0x3FFF, v38;
	[tilespmem:$0x28E0] =	vst v44  }
0x40: {  	v46 =	vshrl.u32 v41, $0xE;
	[tilespmem:$0x29E0] =	vst v45  }
0x41: {  	v47 =	vand.u32 $0x3FFF, v41;
	[tilespmem:$0x28F0] =	vst v46  }
0x42: {  	[tilespmem:$0x29F0] =	vst v47  }
0x43: {  	[tilespmem:s16], [sflag:$0x2] =	stream.indirect.gather [hbm4b:s5+s12], $0x80, s15, s12, $0xb8;
	[tilespmem:$0x1EA00] =	vst v63  }
0x44: {  	_ =	swait.ge [sflag:s17], $0x4000  }
0x45: {  	[sflag:s17] =	ssyncset.done $0x0  }
0x46: {  	[sflag:s17] =	ssyncadd.s32 $0xFFFFC000  }
0x47: {  	[spmem:s3] =	stream.indirect.scatter.add.f32 [tilespmem:s14], [sflag:$0x3], $0x80, s18, s12, $0xb8;
	[tilespmem:$0x1EA00] =	vst v63  }
0x48: {  	_ =	swait.ge [sflag:s11], $0x4000  }
0x49: {  	[sflag:s11] =	ssyncset.done $0x0  }
0x4a: {  	s22 =	simm.s32 $0x1F0;
	[sflag:s11] =	ssyncadd.s32 $0xFFFFC000  }
0x4b: {  	v48 =	vld [tilespmem:s22+$0xFFFFFF10];
	_ =	sdelay $0x4  }
0x4c: {  	v49 =	vshrl.u32 v48, $0xE  }
0x4d: {  	v0 =	vand.u32 $0x3FFF, v48;
	[tilespmem:$0x2800] =	vst v49  }
0x4e: {  	[tilespmem:$0x2900] =	vst v0  }
0x4f: {  	v0 =	vld [tilespmem:s22+$0xFFFFFF20];
	_ =	sdelay $0x4  }
0x50: {  	v50 =	vshrl.u32 v0, $0xE  }
0x51: {  	v0 =	vand.u32 $0x3FFF, v0;
	[tilespmem:$0x2810] =	vst v50  }
0x52: {  	[tilespmem:$0x2910] =	vst v0  }
0x53: {  	v0 =	vld [tilespmem:s22+$0xFFFFFF30];
	_ =	sdelay $0x4  }
0x54: {  	v51 =	vshrl.u32 v0, $0xE  }
0x55: {  	v0 =	vand.u32 $0x3FFF, v0;
	[tilespmem:$0x2820] =	vst v51  }
0x56: {  	[tilespmem:$0x2920] =	vst v0  }
0x57: {  	v0 =	vld [tilespmem:s22+$0xFFFFFF40];
	_ =	sdelay $0x4  }
0x58: {  	v52 =	vshrl.u32 v0, $0xE  }
0x59: {  	v0 =	vand.u32 $0x3FFF, v0;
	[tilespmem:$0x2830] =	vst v52  }
0x5a: {  	[tilespmem:$0x2930] =	vst v0  }
0x5b: {  	v0 =	vld [tilespmem:s22+$0xFFFFFF50];
	_ =	sdelay $0x4  }
0x5c: {  	v53 =	vshrl.u32 v0, $0xE  }
0x5d: {  	v0 =	vand.u32 $0x3FFF, v0;
	[tilespmem:$0x2840] =	vst v53  }
0x5e: {  	[tilespmem:$0x2940] =	vst v0  }
0x5f: {  	v0 =	vld [tilespmem:s22+$0xFFFFFF60];
	_ =	sdelay $0x4  }
0x60: {  	v54 =	vshrl.u32 v0, $0xE  }
0x61: {  	v0 =	vand.u32 $0x3FFF, v0;
	[tilespmem:$0x2850] =	vst v54  }
0x62: {  	[tilespmem:$0x2950] =	vst v0  }
0x63: {  	v0 =	vld [tilespmem:s22+$0xFFFFFF70];
	_ =	sdelay $0x4  }
0x64: {  	v55 =	vshrl.u32 v0, $0xE  }
0x65: {  	v0 =	vand.u32 $0x3FFF, v0;
	[tilespmem:$0x2860] =	vst v55  }
0x66: {  	[tilespmem:$0x2960] =	vst v0  }
0x67: {  	v0 =	vld [tilespmem:s22+$0xFFFFFF80];
	_ =	sdelay $0x4  }
0x68: {  	v56 =	vshrl.u32 v0, $0xE  }
0x69: {  	v0 =	vand.u32 $0x3FFF, v0;
	[tilespmem:$0x2870] =	vst v56  }
0x6a: {  	[tilespmem:$0x2970] =	vst v0  }
0x6b: {  	[tilespmem:s14], [sflag:$0x1] =	stream.indirect.gather [hbm4b:s5+s12], $0x80, s13, s12, $0xb8;
	[tilespmem:$0x1EA00] =	vst v63  }
0x6c: {  	_ =	swait.ge [sflag:s19], $0x4000  }
0x6d: {  	[sflag:s19] =	ssyncset.done $0x0  }
0x6e: {  	[sflag:s19] =	ssyncadd.s32 $0xFFFFC000  }
0x6f: {  	[spmem:s3] =	stream.indirect.scatter.add.f32 [tilespmem:s16], [sflag:$0x3], $0x80, s20, s12, $0xb8;
	[tilespmem:$0x1EA00] =	vst v63  }
0x70: {  	_ =	swait.ge [sflag:s11], $0x4000  }
0x71: {  	[sflag:s11] =	ssyncset.done $0x0  }
0x72: {  	[sflag:s11] =	ssyncadd.s32 $0xFFFFC000  }
0x73: {  	v57 =	vld [tilespmem:s22+$0xFFFFFF90];
	_ =	sdelay $0x4  }
0x74: {  	v58 =	vshrl.u32 v57, $0xE  }
0x75: {  	v0 =	vand.u32 $0x3FFF, v57;
	[tilespmem:$0x2880] =	vst v58  }
0x76: {  	[tilespmem:$0x2980] =	vst v0  }
0x77: {  	v0 =	vld [tilespmem:s22+$0xFFFFFFA0];
	_ =	sdelay $0x4  }
0x78: {  	v59 =	vshrl.u32 v0, $0xE  }
0x79: {  	v0 =	vand.u32 $0x3FFF, v0;
	[tilespmem:$0x2890] =	vst v59  }
0x7a: {  	[tilespmem:$0x2990] =	vst v0  }
0x7b: {  	v0 =	vld [tilespmem:s22+$0xFFFFFFB0];
	_ =	sdelay $0x4  }
0x7c: {  	v60 =	vshrl.u32 v0, $0xE  }
0x7d: {  	v0 =	vand.u32 $0x3FFF, v0;
	[tilespmem:$0x28A0] =	vst v60  }
0x7e: {  	[tilespmem:$0x29A0] =	vst v0  }
0x7f: {  	v0 =	vld [tilespmem:s22+$0xFFFFFFC0];
	_ =	sdelay $0x4  }
0x80: {  	v61 =	vshrl.u32 v0, $0xE  }
0x81: {  	v0 =	vand.u32 $0x3FFF, v0;
	[tilespmem:$0x28B0] =	vst v61  }
0x82: {  	[tilespmem:$0x29B0] =	vst v0  }
0x83: {  	v0 =	vld [tilespmem:s22+$0xFFFFFFD0];
	_ =	sdelay $0x4  }
0x84: {  	v62 =	vshrl.u32 v0, $0xE  }
0x85: {  	v0 =	vand.u32 $0x3FFF, v0;
	[tilespmem:$0x28C0] =	vst v62  }
0x86: {  	[tilespmem:$0x29C0] =	vst v0  }
0x87: {  	v0 =	vld [tilespmem:s22+$0xFFFFFFE0];
	_ =	sdelay $0x4  }
0x88: {  	v63 =	vshrl.u32 v0, $0xE  }
0x89: {  	v0 =	vand.u32 $0x3FFF, v0;
	[tilespmem:$0x28D0] =	vst v63  }
0x8a: {  	s23 =	simm.s32 $0xBC0;
	[tilespmem:$0x29D0] =	vst v0  }
.LBB2_2:
0x8b: {  	p0 =	sne.s32 s23, $0x9FC0;
	v0 =	vld [tilespmem:s22+$0xFFFFFFF0];
	s24 =	smov.u32 s23;
	s23 =	sadd.s32 $0x400, s23  }
0x8c: {  	_ =	sdelay $0x3  }
0x8d: {  	v1 =	vshrl.u32 v0, $0xE;
	v0 =	vand.u32 $0x3FFF, v0  }
0x8e: {  	[tilespmem:$0x28E0] =	vst v1  }
0x8f: {  	[tilespmem:$0x29E0] =	vst v0  }
0x90: {  	v0 =	vld [tilespmem:s22+$0x0];
	_ =	sdelay $0x4  }
0x91: {  	v1 =	vshrl.u32 v0, $0xE;
	v0 =	vand.u32 $0x3FFF, v0  }
0x92: {  	[tilespmem:$0x28F0] =	vst v1  }
0x93: {  	[tilespmem:$0x29F0] =	vst v0  }
0x94: {  	[tilespmem:s16], [sflag:$0x2] =	stream.indirect.gather [hbm4b:s5+s12], $0x80, s15, s12, $0xb8;
	[tilespmem:$0x1EA00] =	vst v63  }
0x95: {  	_ =	swait.ge [sflag:s17], $0x4000  }
0x96: {  	[sflag:s17] =	ssyncset.done $0x0  }
0x97: {  	[sflag:s17] =	ssyncadd.s32 $0xFFFFC000  }
0x98: {  	[spmem:s3] =	stream.indirect.scatter.add.f32 [tilespmem:s14], [sflag:$0x3], $0x80, s18, s12, $0xb8;
	[tilespmem:$0x1EA00] =	vst v63  }
0x99: {  	_ =	swait.ge [sflag:s11], $0x4000  }
0x9a: {  	[sflag:s11] =	ssyncset.done $0x0  }
0x9b: {  	s22 =	sshra.s32 s24, $0x2;
	[sflag:s11] =	ssyncadd.s32 $0xFFFFC000  }
0x9c: {  	v0 =	vld [tilespmem:s22+$0xFFFFFF10];
	_ =	sdelay $0x4  }
0x9d: {  	v1 =	vshrl.u32 v0, $0xE;
	v0 =	vand.u32 $0x3FFF, v0  }
0x9e: {  	[tilespmem:$0x2800] =	vst v1  }
0x9f: {  	[tilespmem:$0x2900] =	vst v0  }
0xa0: {  	v0 =	vld [tilespmem:s22+$0xFFFFFF20];
	_ =	sdelay $0x4  }
0xa1: {  	v1 =	vshrl.u32 v0, $0xE;
	v0 =	vand.u32 $0x3FFF, v0  }
0xa2: {  	[tilespmem:$0x2810] =	vst v1  }
0xa3: {  	[tilespmem:$0x2910] =	vst v0  }
0xa4: {  	v0 =	vld [tilespmem:s22+$0xFFFFFF30];
	_ =	sdelay $0x4  }
0xa5: {  	v1 =	vshrl.u32 v0, $0xE;
	v0 =	vand.u32 $0x3FFF, v0  }
0xa6: {  	[tilespmem:$0x2820] =	vst v1  }
0xa7: {  	[tilespmem:$0x2920] =	vst v0  }
0xa8: {  	v0 =	vld [tilespmem:s22+$0xFFFFFF40];
	_ =	sdelay $0x4  }
0xa9: {  	v1 =	vshrl.u32 v0, $0xE;
	v0 =	vand.u32 $0x3FFF, v0  }
0xaa: {  	[tilespmem:$0x2830] =	vst v1  }
0xab: {  	[tilespmem:$0x2930] =	vst v0  }
0xac: {  	v0 =	vld [tilespmem:s22+$0xFFFFFF50];
	_ =	sdelay $0x4  }
0xad: {  	v1 =	vshrl.u32 v0, $0xE;
	v0 =	vand.u32 $0x3FFF, v0  }
0xae: {  	[tilespmem:$0x2840] =	vst v1  }
0xaf: {  	[tilespmem:$0x2940] =	vst v0  }
0xb0: {  	v0 =	vld [tilespmem:s22+$0xFFFFFF60];
	_ =	sdelay $0x4  }
0xb1: {  	v1 =	vshrl.u32 v0, $0xE;
	v0 =	vand.u32 $0x3FFF, v0  }
0xb2: {  	[tilespmem:$0x2850] =	vst v1  }
0xb3: {  	[tilespmem:$0x2950] =	vst v0  }
0xb4: {  	v0 =	vld [tilespmem:s22+$0xFFFFFF70];
	_ =	sdelay $0x4  }
0xb5: {  	v1 =	vshrl.u32 v0, $0xE;
	v0 =	vand.u32 $0x3FFF, v0  }
0xb6: {  	[tilespmem:$0x2860] =	vst v1  }
0xb7: {  	[tilespmem:$0x2960] =	vst v0  }
0xb8: {  	v0 =	vld [tilespmem:s22+$0xFFFFFF80];
	_ =	sdelay $0x4  }
0xb9: {  	v1 =	vshrl.u32 v0, $0xE;
	v0 =	vand.u32 $0x3FFF, v0  }
0xba: {  	[tilespmem:$0x2870] =	vst v1  }
0xbb: {  	[tilespmem:$0x2970] =	vst v0  }
0xbc: {  	[tilespmem:s14], [sflag:$0x1] =	stream.indirect.gather [hbm4b:s5+s12], $0x80, s13, s12, $0xb8;
	[tilespmem:$0x1EA00] =	vst v63  }
0xbd: {  	_ =	swait.ge [sflag:s19], $0x4000  }
0xbe: {  	[sflag:s19] =	ssyncset.done $0x0  }
0xbf: {  	[sflag:s19] =	ssyncadd.s32 $0xFFFFC000  }
0xc0: {  	[spmem:s3] =	stream.indirect.scatter.add.f32 [tilespmem:s16], [sflag:$0x3], $0x80, s20, s12, $0xb8;
	[tilespmem:$0x1EA00] =	vst v63  }
0xc1: {  	_ =	swait.ge [sflag:s11], $0x4000  }
0xc2: {  	[sflag:s11] =	ssyncset.done $0x0  }
0xc3: {  	[sflag:s11] =	ssyncadd.s32 $0xFFFFC000  }
0xc4: {  	v0 =	vld [tilespmem:s22+$0xFFFFFF90];
	_ =	sdelay $0x4  }
0xc5: {  	v1 =	vshrl.u32 v0, $0xE;
	v0 =	vand.u32 $0x3FFF, v0  }
0xc6: {  	[tilespmem:$0x2880] =	vst v1  }
0xc7: {  	[tilespmem:$0x2980] =	vst v0  }
0xc8: {  	v0 =	vld [tilespmem:s22+$0xFFFFFFA0];
	_ =	sdelay $0x4  }
0xc9: {  	v1 =	vshrl.u32 v0, $0xE;
	v0 =	vand.u32 $0x3FFF, v0  }
0xca: {  	[tilespmem:$0x2890] =	vst v1  }
0xcb: {  	[tilespmem:$0x2990] =	vst v0  }
0xcc: {  	v0 =	vld [tilespmem:s22+$0xFFFFFFB0];
	_ =	sdelay $0x4  }
0xcd: {  	v1 =	vshrl.u32 v0, $0xE;
	v0 =	vand.u32 $0x3FFF, v0  }
0xce: {  	[tilespmem:$0x28A0] =	vst v1  }
0xcf: {  	[tilespmem:$0x29A0] =	vst v0  }
0xd0: {  	v0 =	vld [tilespmem:s22+$0xFFFFFFC0];
	_ =	sdelay $0x4  }
0xd1: {  	v1 =	vshrl.u32 v0, $0xE;
	v0 =	vand.u32 $0x3FFF, v0  }
0xd2: {  	[tilespmem:$0x28B0] =	vst v1  }
0xd3: {  	[tilespmem:$0x29B0] =	vst v0  }
0xd4: {  	v0 =	vld [tilespmem:s22+$0xFFFFFFD0];
	_ =	sdelay $0x4  }
0xd5: {  	v1 =	vshrl.u32 v0, $0xE;
	v0 =	vand.u32 $0x3FFF, v0  }
0xd6: {  	[tilespmem:$0x28C0] =	vst v1  }
0xd7: {  	[tilespmem:$0x29C0] =	vst v0  }
0xd8: {  	v0 =	vld [tilespmem:s22+$0xFFFFFFE0];
	_ =	sdelay $0x2  }
.Ltmp0:
0xd9: {  	(pc) =	sbr.rel @p0 .LBB2_2-.Ltmp0, $4  }
0xda: {  	_ = 	snop  }
0xdb: {  	v1 =	vshrl.u32 v0, $0xE;
	v0 =	vand.u32 $0x3FFF, v0  }
0xdc: {  	[tilespmem:$0x28D0] =	vst v1  }
0xdd: {  	[tilespmem:$0x29D0] =	vst v0  }
0xde: {  	v0 =	vld [tilespmem:s22+$0xFFFFFFF0];
	_ =	sdelay $0x4  }
0xdf: {  	v1 =	vshrl.u32 v0, $0xE  }
0xe0: {  	v0 =	vand.u32 $0x3FFF, v0;
	[tilespmem:$0x28E0] =	vst v1  }
0xe1: {  	[tilespmem:$0x29E0] =	vst v0  }
0xe2: {  	v0 =	vld [tilespmem:s22+$0x0];
	_ =	sdelay $0x4  }
0xe3: {  	v63 =	vshrl.u32 v0, $0xE  }
0xe4: {  	v0 =	vand.u32 $0x3FFF, v0;
	[tilespmem:$0x28F0] =	vst v63  }
0xe5: {  	[tilespmem:$0x29F0] =	vst v0  }
0xe6: {  	[tilespmem:s16], [sflag:$0x2] =	stream.indirect.gather [hbm4b:s5+s12], $0x80, s15, s12, $0xb8;
	[tilespmem:$0x1EA00] =	vst v63  }
0xe7: {  	_ =	swait.ge [sflag:s17], $0x4000  }
0xe8: {  	[sflag:s17] =	ssyncset.done $0x0  }
0xe9: {  	[sflag:s17] =	ssyncadd.s32 $0xFFFFC000  }
0xea: {  	[spmem:s3] =	stream.indirect.scatter.add.f32 [tilespmem:s14], [sflag:$0x3], $0x80, s18, s12, $0xb8;
	[tilespmem:$0x1EA00] =	vst v63  }
0xeb: {  	_ =	swait.ge [sflag:s11], $0x4000  }
0xec: {  	[sflag:s11] =	ssyncset.done $0x0  }
0xed: {  	[sflag:s11] =	ssyncadd.s32 $0xFFFFC000  }
0xee: {  	_ =	swait.ge [sflag:s19], $0x4000  }
0xef: {  	[sflag:s19] =	ssyncset.done $0x0  }
0xf0: {  	[sflag:s19] =	ssyncadd.s32 $0xFFFFC000  }
0xf1: {  	[spmem:s3] =	stream.indirect.scatter.add.f32 [tilespmem:s16], [sflag:$0x3], $0x80, s20, s12, $0xb8;
	[tilespmem:$0x1EA00] =	vst v63  }
0xf2: {  	_ =	swait.ge [sflag:s11], $0x4000  }
0xf3: {  	s21 =	sadd.s32 $0x1, s21;
	[sflag:s11] =	ssyncset.done $0x0  }
0xf4: {  	p0 =	sne.s32 s21, s9;
	[sflag:s11] =	ssyncadd.s32 $0xFFFFC000  }
.Ltmp1:
0xf5: {  	[bflag:$0x0] =	sbarrier.arrive $0xFFFF;
	(pc) =	sbr.rel @p0 .LBB2_1-.Ltmp1, $4  }
0xf6: {  	[hbm:s8], [sflag:s6] =	dma.local [spmem:s10], $0x2800  }
0xf7: {  	_ =	swait.ge [sflag:s11], $0x2800  }
0xf8: {  	[sflag:s11] =	ssyncset.done $0x0  }
0xf9: {  	[sflag:s11] =	ssyncadd.s32 $0xFFFFD800  }
0xfa: {  	_ =	sfence.sel $0x180000  }
0xfb: {  	[bflag:$0x0] =	sbarrier.arrive $0xFFFF  }
0xfc: {  	p0 =	sne.s32 s2, $0x0;
	_ =	strace $0x9000004A  }
0xfd: {  	s0 =	sadd.s32 @!p0 $0x100000, s0;
	[bflag:$0x2] =	sbarrier.arrive $0xFFFF  }
0xfe: {  	[sflag:s0] =	ssyncadd.tile.s32 @!p0 $0x1;
	_ =	shalt  }
.Lfunc_end2:
_tile_overlayer_lowered:
.L_overlay_start_2:
0xff: {  	(tag) =	ssettag $0x2  }
0x100: {  	s0 =	rddreg [dreg:$0x0];
	s2 =	stileid.u32  }
0x101: {  	s1 =	rddreg [dreg:$0x1];
	p0 =	sne.s32 s2, $0x0  }
0x102: {  	s3 =	rddreg [dreg:$0x2];
	[bflag:$0x3] =	sbarrier.arrive $0xFFFF;
	s2 =	simm.s32 @!p0 $0x1C03  }
0x103: {  	[timem:s3], [sflag:s2] =	dma.local @!p0 [hbm:s0], s1  }
0x104: {  	s0 =	simm.s32 @!p0 $0x3  }
0x105: {  	_ =	swait.ge @!p0 [sflag:s0], s1  }
0x106: {  	s1 =	ssub.s32 @!p0 $0x0, s1;
	[sflag:s0] =	ssyncset.done @!p0 $0x0  }
0x107: {  	[sflag:s0] =	ssyncadd.s32 @!p0 s1  }
0x108: {  	[bflag:$0x3] =	sbarrier.arrive $0xFFFF  }
0x109: {  	_ =	shalt  }

</sc_bundles>
